<compile_context>
chip_gen: v7x
topology: tpu7x:2x2x1
jax: 0.10.2.dev20260603
libtpu: 0.0.44.dev20260713+nightly
codegen_flags: <defaults>
</compile_context>

<pallas_src>
import functools

import jax
import jax.numpy as jnp
from jax import lax
from jax.experimental import pallas as pl
from jax.experimental.pallas import tpu as pltpu
from jax.experimental.pallas import tpu_sc as plsc

_NUM_CORES = 2
_NUM_SUBCORES = 16
_NUM_WORKERS = _NUM_CORES * _NUM_SUBCORES
_LANES = 16

_GROUP = 128
_GROUPS_PER_CHUNK = 2
_CHUNK = _GROUP * _GROUPS_PER_CHUNK
_WIDE = 128


def _make_lookup(num_rows: int, vocab: int, dim: int):
  assert num_rows % (_NUM_WORKERS * _GROUP) == 0
  groups_per_w = num_rows // (_NUM_WORKERS * _GROUP)
  assert groups_per_w % _GROUPS_PER_CHUNK == 0
  nchunk = groups_per_w // _GROUPS_PER_CHUNK
  assert nchunk % 2 == 0
  rows_per_w = groups_per_w * _GROUP

  mesh = plsc.VectorSubcoreMesh(
      core_axis_name="c", subcore_axis_name="s", num_cores=_NUM_CORES,
      num_subcores=_NUM_SUBCORES)

  @functools.partial(
      pl.kernel,
      mesh=mesh,
      out_type=jax.ShapeDtypeStruct((num_rows, _WIDE), jnp.float32),
      compiler_params=pltpu.CompilerParams(use_tc_tiling_on_sc=True),
      scratch_types=[
          pltpu.VMEM((groups_per_w, _GROUP), jnp.int32),
          pltpu.VMEM((_CHUNK, _WIDE), jnp.float32),
          pltpu.VMEM((_CHUNK, _WIDE), jnp.float32),
          pltpu.SemaphoreType.DMA,
          pltpu.SemaphoreType.DMA,
          pltpu.SemaphoreType.DMA,
          pltpu.SemaphoreType.DMA,
      ],
  )
  def lookup(table_hbm, idx_hbm, out_hbm, idx_v, rows0, rows1,
             gsem0, gsem1, osem0, osem1):
    wid = lax.axis_index("s") * _NUM_CORES + lax.axis_index("c")
    base_grp = wid * groups_per_w
    base_row = wid * rows_per_w

    rows = (rows0, rows1)
    gsem = (gsem0, gsem1)
    osem = (osem0, osem1)

    pltpu.sync_copy(idx_hbm.at[pl.ds(base_grp, groups_per_w)], idx_v)

    def fire(chunk, b):
      for g in range(_GROUPS_PER_CHUNK):
        pltpu.async_copy(
            table_hbm.at[idx_v.at[chunk * _GROUPS_PER_CHUNK + g]],
            rows[b].at[pl.ds(g * _GROUP, _GROUP)],
            gsem[b])

    def drain_gather(b):
      pltpu.make_async_copy(
          table_hbm.at[pl.ds(0, _CHUNK)], rows[b], gsem[b]).wait()

    def wait_out(b):
      pltpu.make_async_copy(
          rows[b], out_hbm.at[pl.ds(0, _CHUNK)], osem[b]).wait()

    fire(0, 0)

    @pl.loop(0, nchunk, step=2)
    def _chunks(c):
      for b in range(2):
        cc = c + b

        @pl.when(cc >= 1)
        def _():
          wait_out(1 - b)

        @pl.when(cc + 1 < nchunk)
        def _():
          fire(cc + 1, 1 - b)

        drain_gather(b)

        @pl.loop(0, _CHUNK, unroll=8)
        def _scale(r):
          for j in range(dim // _LANES):
            sl = pl.ds(j * _LANES, _LANES)
            rows[b][r, sl] = rows[b][r, sl] * 8.0

        pltpu.async_copy(
            rows[b], out_hbm.at[pl.ds(base_row + cc * _CHUNK, _CHUNK)],
            osem[b])

    wait_out((nchunk - 1) % 2)

  return lookup


def kernel(x, input_embedding_table):
  batch, seq = x.shape
  vocab, dim = input_embedding_table.shape
  num_rows = batch * seq
  idx2d = x.reshape(num_rows // _GROUP, _GROUP).astype(jnp.int32)
  table_wide = jnp.pad(input_embedding_table, ((0, 0), (0, _WIDE - dim)))
  lookup = _make_lookup(num_rows, vocab, dim)
  out = lookup(table_wide, idx2d)
  return out[:, :dim].reshape(batch, seq, dim)

# --- scband reference (transcript-rebuilt; emitter-appended) ---
"""Pipeline reference for scband-embedder-38809324487274 (READ-ONLY COPY).

The authoritative reference and input builder live on the scoring server;
editing this copy changes nothing except your own understanding.
"""

import jax, jax.numpy as jnp
import numpy as np

VOCAB_SIZE = 1000000
EMBED_DIM = 64
BATCH = 4096
SEQ = 200


def setup_inputs(seed: int = 0) -> dict:
    key = jax.random.key(seed)
    k1, k2 = jax.random.split(key)
    x = jax.random.randint(k1, (BATCH, SEQ), 0, VOCAB_SIZE, dtype=jnp.int64 if jax.config.jax_enable_x64 else jnp.int32)
    table = jax.random.normal(k2, (VOCAB_SIZE, EMBED_DIM), dtype=jnp.float32) * 0.02
    return {"x": x, "input_embedding_table": table}


def reference(x, input_embedding_table):
    # Embedder.encode: gather rows then scale by sqrt(embed_dim)
    out = jnp.take(input_embedding_table, x, axis=0)
    out = out * jnp.sqrt(jnp.float32(EMBED_DIM)).astype(out.dtype)
    return out

if __name__ == "__main__":
    import jax
    _d = setup_inputs()
    print(jax.jit(kernel)(*tuple(_d.values())))

</pallas_src>

<mosaic_0001>
#map = affine_map<(d0, d1) -> (0, 0)>
module attributes {stable_mosaic.version = 14 : i64} {
  func.func @lookup(%arg0: i32, %arg1: i32, %arg2: memref<1000000x128xf32, #tpu.memory_space<hbm>>, %arg3: memref<6400x128xi32, #tpu.memory_space<hbm>>, %arg4: memref<819200x128xf32, #tpu.memory_space<hbm>>, %arg5: memref<200x128xi32, #tpu.memory_space<vmem>>, %arg6: memref<256x128xf32, #tpu.memory_space<vmem>>, %arg7: memref<256x128xf32, #tpu.memory_space<vmem>>, %arg8: memref<!tpu.dma_semaphore, #tpu.memory_space<semaphore_mem>>, %arg9: memref<!tpu.dma_semaphore, #tpu.memory_space<semaphore_mem>>, %arg10: memref<!tpu.dma_semaphore, #tpu.memory_space<semaphore_mem>>, %arg11: memref<!tpu.dma_semaphore, #tpu.memory_space<semaphore_mem>>) attributes {dimension_semantics = [#tpu.dimension_semantics<core_parallel>, #tpu.dimension_semantics<subcore_parallel>], iteration_bounds = array<i64: 2, 16>, scalar_prefetch = 0 : i64, scratch_operands = 7 : i64, tpu.core_type = #tpu.core_type<sc_vector_subcore>, window_params = [{transform_indices = #map}, {transform_indices = #map}, {transform_indices = #map}]} {
    %mul3A = arith.constant 2 : i32
    %mul3A_0 = arith.muli %arg1, %mul3A : i32
    %add3A = arith.addi %mul3A_0, %arg0 : i32
    %mul3A_1 = arith.constant 200 : i32
    %mul3A_2 = arith.muli %add3A, %mul3A_1 : i32
    %mul3A_3 = arith.constant 25600 : i32
    %mul3A_4 = arith.muli %add3A, %mul3A_3 : i32
    "tpu.region"() ({
      %run_scoped3A = tpu.sem_alloc : memref<!tpu.dma_semaphore, #tpu.memory_space<semaphore_mem>>
      %dma_start3A_33 = arith.constant 0 : i32
      %dma_start3A_34 = tpu.memref_slice %arg3[%mul3A_2, %dma_start3A_33] : memref<6400x128xi32, #tpu.memory_space<hbm>> -> memref<200x128xi32, #tpu.memory_space<hbm>>
      %dma_start3A_35 = arith.constant 0 : i32
      %dma_start3A_36 = tpu.memref_slice %arg3[%mul3A_2, %dma_start3A_35] : memref<6400x128xi32, #tpu.memory_space<hbm>> -> memref<200x128xi32, #tpu.memory_space<hbm>>
      tpu.enqueue_dma source(%dma_start3A_36 : memref<200x128xi32, #tpu.memory_space<hbm>>) target(%arg5 : memref<200x128xi32, #tpu.memory_space<vmem>>) target_semaphore(%run_scoped3A : memref<!tpu.dma_semaphore, #tpu.memory_space<semaphore_mem>>)
      %dma_wait3A_37 = arith.constant 0 : i32
      %dma_wait3A_38 = tpu.memref_slice %arg3[%mul3A_2, %dma_wait3A_37] : memref<6400x128xi32, #tpu.memory_space<hbm>> -> memref<200x128xi32, #tpu.memory_space<hbm>>
      %dma_wait3A_39 = arith.constant 0 : i32
      %dma_wait3A_40 = tpu.memref_slice %arg3[%mul3A_2, %dma_wait3A_39] : memref<6400x128xi32, #tpu.memory_space<hbm>> -> memref<200x128xi32, #tpu.memory_space<hbm>>
      tpu.wait_dma2 semaphore(%run_scoped3A : memref<!tpu.dma_semaphore, #tpu.memory_space<semaphore_mem>>) src(%dma_wait3A_40 : memref<200x128xi32, #tpu.memory_space<hbm>>) dst(%arg5 : memref<200x128xi32, #tpu.memory_space<vmem>>)
      tpu.yield
    }) : () -> ()
    %dma_start3A = arith.constant 0 : i32
    %dma_start3A_5 = arith.constant 0 : i32
    %dma_start3A_6 = arith.constant 0 : i32
    %dma_start3A_7 = tpu.memref_slice %arg6[%dma_start3A_5, %dma_start3A_6] : memref<256x128xf32, #tpu.memory_space<vmem>> -> memref<128x128xf32, #tpu.memory_space<vmem>>
    %dma_start3A_8 = arith.constant 0 : i32
    %dma_start3A_9 = tpu.memref_slice %arg5[%dma_start3A, %dma_start3A_8] : memref<200x128xi32, #tpu.memory_space<vmem>> -> memref<1x128xi32, #tpu.memory_space<vmem>>
    %dma_start3A_10 = tpu.memref_squeeze %dma_start3A_9 : memref<1x128xi32, #tpu.memory_space<vmem>> -> memref<128xi32, #tpu.memory_space<vmem>>
    %dma_start3A_11 = arith.constant 0 : i32
    %dma_start3A_12 = arith.constant 0 : i32
    %dma_start3A_13 = tpu.memref_slice %arg2[%dma_start3A_11, %dma_start3A_12] : memref<1000000x128xf32, #tpu.memory_space<hbm>> -> memref<1000000x128xf32, #tpu.memory_space<hbm>>
    tpu.enqueue_indirect_dma source(%dma_start3A_13 : memref<1000000x128xf32, #tpu.memory_space<hbm>>) target(%dma_start3A_7 : memref<128x128xf32, #tpu.memory_space<vmem>>) offsets(%dma_start3A_10 : memref<128xi32, #tpu.memory_space<vmem>>) semaphore(%arg8 : memref<!tpu.dma_semaphore, #tpu.memory_space<semaphore_mem>>)
    %dma_start3A_14 = arith.constant 1 : i32
    %dma_start3A_15 = arith.constant 128 : i32
    %dma_start3A_16 = arith.constant 0 : i32
    %dma_start3A_17 = tpu.memref_slice %arg6[%dma_start3A_15, %dma_start3A_16] : memref<256x128xf32, #tpu.memory_space<vmem>> -> memref<128x128xf32, #tpu.memory_space<vmem>>
    %dma_start3A_18 = arith.constant 0 : i32
    %dma_start3A_19 = tpu.memref_slice %arg5[%dma_start3A_14, %dma_start3A_18] : memref<200x128xi32, #tpu.memory_space<vmem>> -> memref<1x128xi32, #tpu.memory_space<vmem>>
    %dma_start3A_20 = tpu.memref_squeeze %dma_start3A_19 : memref<1x128xi32, #tpu.memory_space<vmem>> -> memref<128xi32, #tpu.memory_space<vmem>>
    %dma_start3A_21 = arith.constant 0 : i32
    %dma_start3A_22 = arith.constant 0 : i32
    %dma_start3A_23 = tpu.memref_slice %arg2[%dma_start3A_21, %dma_start3A_22] : memref<1000000x128xf32, #tpu.memory_space<hbm>> -> memref<1000000x128xf32, #tpu.memory_space<hbm>>
    tpu.enqueue_indirect_dma source(%dma_start3A_23 : memref<1000000x128xf32, #tpu.memory_space<hbm>>) target(%dma_start3A_17 : memref<128x128xf32, #tpu.memory_space<vmem>>) offsets(%dma_start3A_20 : memref<128xi32, #tpu.memory_space<vmem>>) semaphore(%arg8 : memref<!tpu.dma_semaphore, #tpu.memory_space<semaphore_mem>>)
    %scan3A = arith.constant 0 : i32
    %scan3A_24 = arith.constant 50 : i32
    %scan3A_25 = arith.addi %scan3A, %scan3A_24 : i32
    %scan3A_26 = arith.constant 1 : i32
    scf.for %scan3A_33 = %scan3A to %scan3A_25 step %scan3A_26  : i32 {
      %mul3A_34 = arith.constant 2 : i32
      %mul3A_35 = arith.muli %scan3A_33, %mul3A_34 : i32
      %add3A_36 = arith.constant 0 : i32
      %add3A_37 = arith.addi %add3A_36, %mul3A_35 : i32
      %add3A_38 = arith.constant 0 : i32
      %add3A_39 = arith.addi %add3A_37, %add3A_38 : i32
      %ge3A = arith.constant 1 : i32
      %ge3A_40 = arith.cmpi sge, %add3A_39, %ge3A : i32
      %convert_element_type3A = arith.extui %ge3A_40 : i1 to i32
      %cond3A = arith.constant 0 : i32
      %cond3A_41 = arith.cmpi ne, %convert_element_type3A, %cond3A : i32
      scf.if %cond3A_41 {
        %dma_wait3A_98 = arith.constant 0 : i32
        %dma_wait3A_99 = arith.constant 0 : i32
        %dma_wait3A_100 = tpu.memref_slice %arg4[%dma_wait3A_98, %dma_wait3A_99] : memref<819200x128xf32, #tpu.memory_space<hbm>> -> memref<256x128xf32, #tpu.memory_space<hbm>>
        %dma_wait3A_101 = arith.constant 0 : i32
        %dma_wait3A_102 = arith.constant 0 : i32
        %dma_wait3A_103 = tpu.memref_slice %arg4[%dma_wait3A_101, %dma_wait3A_102] : memref<819200x128xf32, #tpu.memory_space<hbm>> -> memref<256x128xf32, #tpu.memory_space<hbm>>
        tpu.wait_dma2 semaphore(%arg11 : memref<!tpu.dma_semaphore, #tpu.memory_space<semaphore_mem>>) src(%arg7 : memref<256x128xf32, #tpu.memory_space<vmem>>) dst(%dma_wait3A_103 : memref<256x128xf32, #tpu.memory_space<hbm>>)
      } else {
      }
      %add3A_42 = arith.constant 1 : i32
      %add3A_43 = arith.addi %add3A_39, %add3A_42 : i32
      %lt3A = arith.constant 100 : i32
      %lt3A_44 = arith.cmpi slt, %add3A_43, %lt3A : i32
      %convert_element_type3A_45 = arith.extui %lt3A_44 : i1 to i32
      %cond3A_46 = arith.constant 0 : i32
      %cond3A_47 = arith.cmpi ne, %convert_element_type3A_45, %cond3A_46 : i32
      scf.if %cond3A_47 {
        %add3A_98 = arith.constant 1 : i32
        %add3A_99 = arith.addi %add3A_39, %add3A_98 : i32
        %mul3A_100 = arith.constant 2 : i32
        %mul3A_101 = arith.muli %add3A_99, %mul3A_100 : i32
        %add3A_102 = arith.constant 0 : i32
        %add3A_103 = arith.addi %mul3A_101, %add3A_102 : i32
        %dma_start3A_104 = arith.constant 0 : i32
        %dma_start3A_105 = arith.constant 0 : i32
        %dma_start3A_106 = tpu.memref_slice %arg7[%dma_start3A_104, %dma_start3A_105] : memref<256x128xf32, #tpu.memory_space<vmem>> -> memref<128x128xf32, #tpu.memory_space<vmem>>
        %dma_start3A_107 = arith.constant 0 : i32
        %dma_start3A_108 = tpu.memref_slice %arg5[%add3A_103, %dma_start3A_107] : memref<200x128xi32, #tpu.memory_space<vmem>> -> memref<1x128xi32, #tpu.memory_space<vmem>>
        %dma_start3A_109 = tpu.memref_squeeze %dma_start3A_108 : memref<1x128xi32, #tpu.memory_space<vmem>> -> memref<128xi32, #tpu.memory_space<vmem>>
        %dma_start3A_110 = arith.constant 0 : i32
        %dma_start3A_111 = arith.constant 0 : i32
        %dma_start3A_112 = tpu.memref_slice %arg2[%dma_start3A_110, %dma_start3A_111] : memref<1000000x128xf32, #tpu.memory_space<hbm>> -> memref<1000000x128xf32, #tpu.memory_space<hbm>>
        tpu.enqueue_indirect_dma source(%dma_start3A_112 : memref<1000000x128xf32, #tpu.memory_space<hbm>>) target(%dma_start3A_106 : memref<128x128xf32, #tpu.memory_space<vmem>>) offsets(%dma_start3A_109 : memref<128xi32, #tpu.memory_space<vmem>>) semaphore(%arg9 : memref<!tpu.dma_semaphore, #tpu.memory_space<semaphore_mem>>)
        %mul3A_113 = arith.constant 2 : i32
        %mul3A_114 = arith.muli %add3A_99, %mul3A_113 : i32
        %add3A_115 = arith.constant 1 : i32
        %add3A_116 = arith.addi %mul3A_114, %add3A_115 : i32
        %dma_start3A_117 = arith.constant 128 : i32
        %dma_start3A_118 = arith.constant 0 : i32
        %dma_start3A_119 = tpu.memref_slice %arg7[%dma_start3A_117, %dma_start3A_118] : memref<256x128xf32, #tpu.memory_space<vmem>> -> memref<128x128xf32, #tpu.memory_space<vmem>>
        %dma_start3A_120 = arith.constant 0 : i32
        %dma_start3A_121 = tpu.memref_slice %arg5[%add3A_116, %dma_start3A_120] : memref<200x128xi32, #tpu.memory_space<vmem>> -> memref<1x128xi32, #tpu.memory_space<vmem>>
        %dma_start3A_122 = tpu.memref_squeeze %dma_start3A_121 : memref<1x128xi32, #tpu.memory_space<vmem>> -> memref<128xi32, #tpu.memory_space<vmem>>
        %dma_start3A_123 = arith.constant 0 : i32
        %dma_start3A_124 = arith.constant 0 : i32
        %dma_start3A_125 = tpu.memref_slice %arg2[%dma_start3A_123, %dma_start3A_124] : memref<1000000x128xf32, #tpu.memory_space<hbm>> -> memref<1000000x128xf32, #tpu.memory_space<hbm>>
        tpu.enqueue_indirect_dma source(%dma_start3A_125 : memref<1000000x128xf32, #tpu.memory_space<hbm>>) target(%dma_start3A_119 : memref<128x128xf32, #tpu.memory_space<vmem>>) offsets(%dma_start3A_122 : memref<128xi32, #tpu.memory_space<vmem>>) semaphore(%arg9 : memref<!tpu.dma_semaphore, #tpu.memory_space<semaphore_mem>>)
      } else {
      }
      %dma_wait3A_48 = arith.constant 0 : i32
      %dma_wait3A_49 = arith.constant 0 : i32
      %dma_wait3A_50 = tpu.memref_slice %arg2[%dma_wait3A_48, %dma_wait3A_49] : memref<1000000x128xf32, #tpu.memory_space<hbm>> -> memref<256x128xf32, #tpu.memory_space<hbm>>
      %dma_wait3A_51 = arith.constant 0 : i32
      %dma_wait3A_52 = arith.constant 0 : i32
      %dma_wait3A_53 = tpu.memref_slice %arg2[%dma_wait3A_51, %dma_wait3A_52] : memref<1000000x128xf32, #tpu.memory_space<hbm>> -> memref<256x128xf32, #tpu.memory_space<hbm>>
      tpu.wait_dma2 semaphore(%arg8 : memref<!tpu.dma_semaphore, #tpu.memory_space<semaphore_mem>>) src(%dma_wait3A_53 : memref<256x128xf32, #tpu.memory_space<hbm>>) dst(%arg6 : memref<256x128xf32, #tpu.memory_space<vmem>>)
      %scan3A_54 = arith.constant 0 : i32
      %scan3A_55 = arith.constant 256 : i32
      %scan3A_56 = arith.addi %scan3A_54, %scan3A_55 : i32
      %scan3A_57 = arith.constant 8 : i32
      scf.for %scan3A_98 = %scan3A_54 to %scan3A_56 step %scan3A_57  : i32 {
        %mul3A_99 = arith.constant 1 : i32
        %mul3A_100 = arith.muli %scan3A_98, %mul3A_99 : i32
        %add3A_101 = arith.constant 0 : i32
        %add3A_102 = arith.addi %add3A_101, %mul3A_100 : i32
        %get3A = arith.index_cast %add3A_102 : i32 to index
        %get3A_103 = arith.constant 0 : index
        %get3A_104 = tpu.vector_load %arg6[%get3A, %get3A_103] {strides = array<i32>} : memref<256x128xf32, #tpu.memory_space<vmem>>, vector<1x16xf32>,
        %get3A_105 = vector.shape_cast %get3A_104 : vector<1x16xf32> to vector<16xf32>
        %mul3A_106 = arith.constant 8.000000e+00 : f32
        %mul3A_107 = vector.broadcast %mul3A_106 : f32 to vector<16xf32>
        %mul3A_108 = arith.mulf %get3A_105, %mul3A_107 : vector<16xf32>
        %swap3A = arith.index_cast %add3A_102 : i32 to index
        %swap3A_109 = arith.constant 0 : index
        %swap3A_110 = tpu.vector_load %arg6[%swap3A, %swap3A_109] {strides = array<i32>} : memref<256x128xf32, #tpu.memory_space<vmem>>, vector<1x16xf32>,
        %swap3A_111 = vector.shape_cast %swap3A_110 : vector<1x16xf32> to vector<16xf32>
        %swap3A_112 = vector.shape_cast %mul3A_108 : vector<16xf32> to vector<1x16xf32>
        tpu.vector_store %arg6[%swap3A, %swap3A_109], %swap3A_112 {strides = array<i32>} : memref<256x128xf32, #tpu.memory_space<vmem>>, vector<1x16xf32>,
        %get3A_113 = arith.index_cast %add3A_102 : i32 to index
        %get3A_114 = arith.constant 16 : index
        %get3A_115 = tpu.vector_load %arg6[%get3A_113, %get3A_114] {strides = array<i32>} : memref<256x128xf32, #tpu.memory_space<vmem>>, vector<1x16xf32>,
        %get3A_116 = vector.shape_cast %get3A_115 : vector<1x16xf32> to vector<16xf32>
        %mul3A_117 = arith.constant 8.000000e+00 : f32
        %mul3A_118 = vector.broadcast %mul3A_117 : f32 to vector<16xf32>
        %mul3A_119 = arith.mulf %get3A_116, %mul3A_118 : vector<16xf32>
        %swap3A_120 = arith.index_cast %add3A_102 : i32 to index
        %swap3A_121 = arith.constant 16 : index
        %swap3A_122 = tpu.vector_load %arg6[%swap3A_120, %swap3A_121] {strides = array<i32>} : memref<256x128xf32, #tpu.memory_space<vmem>>, vector<1x16xf32>,
        %swap3A_123 = vector.shape_cast %swap3A_122 : vector<1x16xf32> to vector<16xf32>
        %swap3A_124 = vector.shape_cast %mul3A_119 : vector<16xf32> to vector<1x16xf32>
        tpu.vector_store %arg6[%swap3A_120, %swap3A_121], %swap3A_124 {strides = array<i32>} : memref<256x128xf32, #tpu.memory_space<vmem>>, vector<1x16xf32>,
        %get3A_125 = arith.index_cast %add3A_102 : i32 to index
        %get3A_126 = arith.constant 32 : index
        %get3A_127 = tpu.vector_load %arg6[%get3A_125, %get3A_126] {strides = array<i32>} : memref<256x128xf32, #tpu.memory_space<vmem>>, vector<1x16xf32>,
        %get3A_128 = vector.shape_cast %get3A_127 : vector<1x16xf32> to vector<16xf32>
        %mul3A_129 = arith.constant 8.000000e+00 : f32
        %mul3A_130 = vector.broadcast %mul3A_129 : f32 to vector<16xf32>
        %mul3A_131 = arith.mulf %get3A_128, %mul3A_130 : vector<16xf32>
        %swap3A_132 = arith.index_cast %add3A_102 : i32 to index
        %swap3A_133 = arith.constant 32 : index
        %swap3A_134 = tpu.vector_load %arg6[%swap3A_132, %swap3A_133] {strides = array<i32>} : memref<256x128xf32, #tpu.memory_space<vmem>>, vector<1x16xf32>,
        %swap3A_135 = vector.shape_cast %swap3A_134 : vector<1x16xf32> to vector<16xf32>
        %swap3A_136 = vector.shape_cast %mul3A_131 : vector<16xf32> to vector<1x16xf32>
        tpu.vector_store %arg6[%swap3A_132, %swap3A_133], %swap3A_136 {strides = array<i32>} : memref<256x128xf32, #tpu.memory_space<vmem>>, vector<1x16xf32>,
        %get3A_137 = arith.index_cast %add3A_102 : i32 to index
        %get3A_138 = arith.constant 48 : index
        %get3A_139 = tpu.vector_load %arg6[%get3A_137, %get3A_138] {strides = array<i32>} : memref<256x128xf32, #tpu.memory_space<vmem>>, vector<1x16xf32>,
        %get3A_140 = vector.shape_cast %get3A_139 : vector<1x16xf32> to vector<16xf32>
        %mul3A_141 = arith.constant 8.000000e+00 : f32
        %mul3A_142 = vector.broadcast %mul3A_141 : f32 to vector<16xf32>
        %mul3A_143 = arith.mulf %get3A_140, %mul3A_142 : vector<16xf32>
        %swap3A_144 = arith.index_cast %add3A_102 : i32 to index
        %swap3A_145 = arith.constant 48 : index
        %swap3A_146 = tpu.vector_load %arg6[%swap3A_144, %swap3A_145] {strides = array<i32>} : memref<256x128xf32, #tpu.memory_space<vmem>>, vector<1x16xf32>,
        %swap3A_147 = vector.shape_cast %swap3A_146 : vector<1x16xf32> to vector<16xf32>
        %swap3A_148 = vector.shape_cast %mul3A_143 : vector<16xf32> to vector<1x16xf32>
        tpu.vector_store %arg6[%swap3A_144, %swap3A_145], %swap3A_148 {strides = array<i32>} : memref<256x128xf32, #tpu.memory_space<vmem>>, vector<1x16xf32>,
        %scan3A_149 = arith.constant 1 : i32
        %scan3A_150 = arith.addi %scan3A_98, %scan3A_149 : i32
        %mul3A_151 = arith.constant 1 : i32
        %mul3A_152 = arith.muli %scan3A_150, %mul3A_151 : i32
        %add3A_153 = arith.constant 0 : i32
        %add3A_154 = arith.addi %add3A_153, %mul3A_152 : i32
        %get3A_155 = arith.index_cast %add3A_154 : i32 to index
        %get3A_156 = arith.constant 0 : index
        %get3A_157 = tpu.vector_load %arg6[%get3A_155, %get3A_156] {strides = array<i32>} : memref<256x128xf32, #tpu.memory_space<vmem>>, vector<1x16xf32>,
        %get3A_158 = vector.shape_cast %get3A_157 : vector<1x16xf32> to vector<16xf32>
        %mul3A_159 = arith.constant 8.000000e+00 : f32
        %mul3A_160 = vector.broadcast %mul3A_159 : f32 to vector<16xf32>
        %mul3A_161 = arith.mulf %get3A_158, %mul3A_160 : vector<16xf32>
        %swap3A_162 = arith.index_cast %add3A_154 : i32 to index
        %swap3A_163 = arith.constant 0 : index
        %swap3A_164 = tpu.vector_load %arg6[%swap3A_162, %swap3A_163] {strides = array<i32>} : memref<256x128xf32, #tpu.memory_space<vmem>>, vector<1x16xf32>,
        %swap3A_165 = vector.shape_cast %swap3A_164 : vector<1x16xf32> to vector<16xf32>
        %swap3A_166 = vector.shape_cast %mul3A_161 : vector<16xf32> to vector<1x16xf32>
        tpu.vector_store %arg6[%swap3A_162, %swap3A_163], %swap3A_166 {strides = array<i32>} : memref<256x128xf32, #tpu.memory_space<vmem>>, vector<1x16xf32>,
        %get3A_167 = arith.index_cast %add3A_154 : i32 to index
        %get3A_168 = arith.constant 16 : index
        %get3A_169 = tpu.vector_load %arg6[%get3A_167, %get3A_168] {strides = array<i32>} : memref<256x128xf32, #tpu.memory_space<vmem>>, vector<1x16xf32>,
        %get3A_170 = vector.shape_cast %get3A_169 : vector<1x16xf32> to vector<16xf32>
        %mul3A_171 = arith.constant 8.000000e+00 : f32
        %mul3A_172 = vector.broadcast %mul3A_171 : f32 to vector<16xf32>
        %mul3A_173 = arith.mulf %get3A_170, %mul3A_172 : vector<16xf32>
        %swap3A_174 = arith.index_cast %add3A_154 : i32 to index
        %swap3A_175 = arith.constant 16 : index
        %swap3A_176 = tpu.vector_load %arg6[%swap3A_174, %swap3A_175] {strides = array<i32>} : memref<256x128xf32, #tpu.memory_space<vmem>>, vector<1x16xf32>,
        %swap3A_177 = vector.shape_cast %swap3A_176 : vector<1x16xf32> to vector<16xf32>
        %swap3A_178 = vector.shape_cast %mul3A_173 : vector<16xf32> to vector<1x16xf32>
        tpu.vector_store %arg6[%swap3A_174, %swap3A_175], %swap3A_178 {strides = array<i32>} : memref<256x128xf32, #tpu.memory_space<vmem>>, vector<1x16xf32>,
        %get3A_179 = arith.index_cast %add3A_154 : i32 to index
        %get3A_180 = arith.constant 32 : index
        %get3A_181 = tpu.vector_load %arg6[%get3A_179, %get3A_180] {strides = array<i32>} : memref<256x128xf32, #tpu.memory_space<vmem>>, vector<1x16xf32>,
        %get3A_182 = vector.shape_cast %get3A_181 : vector<1x16xf32> to vector<16xf32>
        %mul3A_183 = arith.constant 8.000000e+00 : f32
        %mul3A_184 = vector.broadcast %mul3A_183 : f32 to vector<16xf32>
        %mul3A_185 = arith.mulf %get3A_182, %mul3A_184 : vector<16xf32>
        %swap3A_186 = arith.index_cast %add3A_154 : i32 to index
        %swap3A_187 = arith.constant 32 : index
        %swap3A_188 = tpu.vector_load %arg6[%swap3A_186, %swap3A_187] {strides = array<i32>} : memref<256x128xf32, #tpu.memory_space<vmem>>, vector<1x16xf32>,
        %swap3A_189 = vector.shape_cast %swap3A_188 : vector<1x16xf32> to vector<16xf32>
        %swap3A_190 = vector.shape_cast %mul3A_185 : vector<16xf32> to vector<1x16xf32>
        tpu.vector_store %arg6[%swap3A_186, %swap3A_187], %swap3A_190 {strides = array<i32>} : memref<256x128xf32, #tpu.memory_space<vmem>>, vector<1x16xf32>,
        %get3A_191 = arith.index_cast %add3A_154 : i32 to index
        %get3A_192 = arith.constant 48 : index
        %get3A_193 = tpu.vector_load %arg6[%get3A_191, %get3A_192] {strides = array<i32>} : memref<256x128xf32, #tpu.memory_space<vmem>>, vector<1x16xf32>,
        %get3A_194 = vector.shape_cast %get3A_193 : vector<1x16xf32> to vector<16xf32>
        %mul3A_195 = arith.constant 8.000000e+00 : f32
        %mul3A_196 = vector.broadcast %mul3A_195 : f32 to vector<16xf32>
        %mul3A_197 = arith.mulf %get3A_194, %mul3A_196 : vector<16xf32>
        %swap3A_198 = arith.index_cast %add3A_154 : i32 to index
        %swap3A_199 = arith.constant 48 : index
        %swap3A_200 = tpu.vector_load %arg6[%swap3A_198, %swap3A_199] {strides = array<i32>} : memref<256x128xf32, #tpu.memory_space<vmem>>, vector<1x16xf32>,
        %swap3A_201 = vector.shape_cast %swap3A_200 : vector<1x16xf32> to vector<16xf32>
        %swap3A_202 = vector.shape_cast %mul3A_197 : vector<16xf32> to vector<1x16xf32>
        tpu.vector_store %arg6[%swap3A_198, %swap3A_199], %swap3A_202 {strides = array<i32>} : memref<256x128xf32, #tpu.memory_space<vmem>>, vector<1x16xf32>,
        %scan3A_203 = arith.constant 2 : i32
        %scan3A_204 = arith.addi %scan3A_98, %scan3A_203 : i32
        %mul3A_205 = arith.constant 1 : i32
        %mul3A_206 = arith.muli %scan3A_204, %mul3A_205 : i32
        %add3A_207 = arith.constant 0 : i32
        %add3A_208 = arith.addi %add3A_207, %mul3A_206 : i32
        %get3A_209 = arith.index_cast %add3A_208 : i32 to index
        %get3A_210 = arith.constant 0 : index
        %get3A_211 = tpu.vector_load %arg6[%get3A_209, %get3A_210] {strides = array<i32>} : memref<256x128xf32, #tpu.memory_space<vmem>>, vector<1x16xf32>,
        %get3A_212 = vector.shape_cast %get3A_211 : vector<1x16xf32> to vector<16xf32>
        %mul3A_213 = arith.constant 8.000000e+00 : f32
        %mul3A_214 = vector.broadcast %mul3A_213 : f32 to vector<16xf32>
        %mul3A_215 = arith.mulf %get3A_212, %mul3A_214 : vector<16xf32>
        %swap3A_216 = arith.index_cast %add3A_208 : i32 to index
        %swap3A_217 = arith.constant 0 : index
        %swap3A_218 = tpu.vector_load %arg6[%swap3A_216, %swap3A_217] {strides = array<i32>} : memref<256x128xf32, #tpu.memory_space<vmem>>, vector<1x16xf32>,
        %swap3A_219 = vector.shape_cast %swap3A_218 : vector<1x16xf32> to vector<16xf32>
        %swap3A_220 = vector.shape_cast %mul3A_215 : vector<16xf32> to vector<1x16xf32>
        tpu.vector_store %arg6[%swap3A_216, %swap3A_217], %swap3A_220 {strides = array<i32>} : memref<256x128xf32, #tpu.memory_space<vmem>>, vector<1x16xf32>,
        %get3A_221 = arith.index_cast %add3A_208 : i32 to index
        %get3A_222 = arith.constant 16 : index
        %get3A_223 = tpu.vector_load %arg6[%get3A_221, %get3A_222] {strides = array<i32>} : memref<256x128xf32, #tpu.memory_space<vmem>>, vector<1x16xf32>,
        %get3A_224 = vector.shape_cast %get3A_223 : vector<1x16xf32> to vector<16xf32>
        %mul3A_225 = arith.constant 8.000000e+00 : f32
        %mul3A_226 = vector.broadcast %mul3A_225 : f32 to vector<16xf32>
        %mul3A_227 = arith.mulf %get3A_224, %mul3A_226 : vector<16xf32>
        %swap3A_228 = arith.index_cast %add3A_208 : i32 to index
        %swap3A_229 = arith.constant 16 : index
        %swap3A_230 = tpu.vector_load %arg6[%swap3A_228, %swap3A_229] {strides = array<i32>} : memref<256x128xf32, #tpu.memory_space<vmem>>, vector<1x16xf32>,
        %swap3A_231 = vector.shape_cast %swap3A_230 : vector<1x16xf32> to vector<16xf32>
        %swap3A_232 = vector.shape_cast %mul3A_227 : vector<16xf32> to vector<1x16xf32>
        tpu.vector_store %arg6[%swap3A_228, %swap3A_229], %swap3A_232 {strides = array<i32>} : memref<256x128xf32, #tpu.memory_space<vmem>>, vector<1x16xf32>,
        %get3A_233 = arith.index_cast %add3A_208 : i32 to index
        %get3A_234 = arith.constant 32 : index
        %get3A_235 = tpu.vector_load %arg6[%get3A_233, %get3A_234] {strides = array<i32>} : memref<256x128xf32, #tpu.memory_space<vmem>>, vector<1x16xf32>,
        %get3A_236 = vector.shape_cast %get3A_235 : vector<1x16xf32> to vector<16xf32>
        %mul3A_237 = arith.constant 8.000000e+00 : f32
        %mul3A_238 = vector.broadcast %mul3A_237 : f32 to vector<16xf32>
        %mul3A_239 = arith.mulf %get3A_236, %mul3A_238 : vector<16xf32>
        %swap3A_240 = arith.index_cast %add3A_208 : i32 to index
        %swap3A_241 = arith.constant 32 : index
        %swap3A_242 = tpu.vector_load %arg6[%swap3A_240, %swap3A_241] {strides = array<i32>} : memref<256x128xf32, #tpu.memory_space<vmem>>, vector<1x16xf32>,
        %swap3A_243 = vector.shape_cast %swap3A_242 : vector<1x16xf32> to vector<16xf32>
        %swap3A_244 = vector.shape_cast %mul3A_239 : vector<16xf32> to vector<1x16xf32>
        tpu.vector_store %arg6[%swap3A_240, %swap3A_241], %swap3A_244 {strides = array<i32>} : memref<256x128xf32, #tpu.memory_space<vmem>>, vector<1x16xf32>,
        %get3A_245 = arith.index_cast %add3A_208 : i32 to index
        %get3A_246 = arith.constant 48 : index
        %get3A_247 = tpu.vector_load %arg6[%get3A_245, %get3A_246] {strides = array<i32>} : memref<256x128xf32, #tpu.memory_space<vmem>>, vector<1x16xf32>,
        %get3A_248 = vector.shape_cast %get3A_247 : vector<1x16xf32> to vector<16xf32>
        %mul3A_249 = arith.constant 8.000000e+00 : f32
        %mul3A_250 = vector.broadcast %mul3A_249 : f32 to vector<16xf32>
        %mul3A_251 = arith.mulf %get3A_248, %mul3A_250 : vector<16xf32>
        %swap3A_252 = arith.index_cast %add3A_208 : i32 to index
        %swap3A_253 = arith.constant 48 : index
        %swap3A_254 = tpu.vector_load %arg6[%swap3A_252, %swap3A_253] {strides = array<i32>} : memref<256x128xf32, #tpu.memory_space<vmem>>, vector<1x16xf32>,
        %swap3A_255 = vector.shape_cast %swap3A_254 : vector<1x16xf32> to vector<16xf32>
        %swap3A_256 = vector.shape_cast %mul3A_251 : vector<16xf32> to vector<1x16xf32>
        tpu.vector_store %arg6[%swap3A_252, %swap3A_253], %swap3A_256 {strides = array<i32>} : memref<256x128xf32, #tpu.memory_space<vmem>>, vector<1x16xf32>,
        %scan3A_257 = arith.constant 3 : i32
        %scan3A_258 = arith.addi %scan3A_98, %scan3A_257 : i32
        %mul3A_259 = arith.constant 1 : i32
        %mul3A_260 = arith.muli %scan3A_258, %mul3A_259 : i32
        %add3A_261 = arith.constant 0 : i32
        %add3A_262 = arith.addi %add3A_261, %mul3A_260 : i32
        %get3A_263 = arith.index_cast %add3A_262 : i32 to index
        %get3A_264 = arith.constant 0 : index
        %get3A_265 = tpu.vector_load %arg6[%get3A_263, %get3A_264] {strides = array<i32>} : memref<256x128xf32, #tpu.memory_space<vmem>>, vector<1x16xf32>,
        %get3A_266 = vector.shape_cast %get3A_265 : vector<1x16xf32> to vector<16xf32>
        %mul3A_267 = arith.constant 8.000000e+00 : f32
        %mul3A_268 = vector.broadcast %mul3A_267 : f32 to vector<16xf32>
        %mul3A_269 = arith.mulf %get3A_266, %mul3A_268 : vector<16xf32>
        %swap3A_270 = arith.index_cast %add3A_262 : i32 to index
        %swap3A_271 = arith.constant 0 : index
        %swap3A_272 = tpu.vector_load %arg6[%swap3A_270, %swap3A_271] {strides = array<i32>} : memref<256x128xf32, #tpu.memory_space<vmem>>, vector<1x16xf32>,
        %swap3A_273 = vector.shape_cast %swap3A_272 : vector<1x16xf32> to vector<16xf32>
        %swap3A_274 = vector.shape_cast %mul3A_269 : vector<16xf32> to vector<1x16xf32>
        tpu.vector_store %arg6[%swap3A_270, %swap3A_271], %swap3A_274 {strides = array<i32>} : memref<256x128xf32, #tpu.memory_space<vmem>>, vector<1x16xf32>,
        %get3A_275 = arith.index_cast %add3A_262 : i32 to index
        %get3A_276 = arith.constant 16 : index
        %get3A_277 = tpu.vector_load %arg6[%get3A_275, %get3A_276] {strides = array<i32>} : memref<256x128xf32, #tpu.memory_space<vmem>>, vector<1x16xf32>,
        %get3A_278 = vector.shape_cast %get3A_277 : vector<1x16xf32> to vector<16xf32>
        %mul3A_279 = arith.constant 8.000000e+00 : f32
        %mul3A_280 = vector.broadcast %mul3A_279 : f32 to vector<16xf32>
        %mul3A_281 = arith.mulf %get3A_278, %mul3A_280 : vector<16xf32>
        %swap3A_282 = arith.index_cast %add3A_262 : i32 to index
        %swap3A_283 = arith.constant 16 : index
        %swap3A_284 = tpu.vector_load %arg6[%swap3A_282, %swap3A_283] {strides = array<i32>} : memref<256x128xf32, #tpu.memory_space<vmem>>, vector<1x16xf32>,
        %swap3A_285 = vector.shape_cast %swap3A_284 : vector<1x16xf32> to vector<16xf32>
        %swap3A_286 = vector.shape_cast %mul3A_281 : vector<16xf32> to vector<1x16xf32>
        tpu.vector_store %arg6[%swap3A_282, %swap3A_283], %swap3A_286 {strides = array<i32>} : memref<256x128xf32, #tpu.memory_space<vmem>>, vector<1x16xf32>,
        %get3A_287 = arith.index_cast %add3A_262 : i32 to index
        %get3A_288 = arith.constant 32 : index
        %get3A_289 = tpu.vector_load %arg6[%get3A_287, %get3A_288] {strides = array<i32>} : memref<256x128xf32, #tpu.memory_space<vmem>>, vector<1x16xf32>,
        %get3A_290 = vector.shape_cast %get3A_289 : vector<1x16xf32> to vector<16xf32>
        %mul3A_291 = arith.constant 8.000000e+00 : f32
        %mul3A_292 = vector.broadcast %mul3A_291 : f32 to vector<16xf32>
        %mul3A_293 = arith.mulf %get3A_290, %mul3A_292 : vector<16xf32>
        %swap3A_294 = arith.index_cast %add3A_262 : i32 to index
        %swap3A_295 = arith.constant 32 : index
        %swap3A_296 = tpu.vector_load %arg6[%swap3A_294, %swap3A_295] {strides = array<i32>} : memref<256x128xf32, #tpu.memory_space<vmem>>, vector<1x16xf32>,
        %swap3A_297 = vector.shape_cast %swap3A_296 : vector<1x16xf32> to vector<16xf32>
        %swap3A_298 = vector.shape_cast %mul3A_293 : vector<16xf32> to vector<1x16xf32>
        tpu.vector_store %arg6[%swap3A_294, %swap3A_295], %swap3A_298 {strides = array<i32>} : memref<256x128xf32, #tpu.memory_space<vmem>>, vector<1x16xf32>,
        %get3A_299 = arith.index_cast %add3A_262 : i32 to index
        %get3A_300 = arith.constant 48 : index
        %get3A_301 = tpu.vector_load %arg6[%get3A_299, %get3A_300] {strides = array<i32>} : memref<256x128xf32, #tpu.memory_space<vmem>>, vector<1x16xf32>,
        %get3A_302 = vector.shape_cast %get3A_301 : vector<1x16xf32> to vector<16xf32>
        %mul3A_303 = arith.constant 8.000000e+00 : f32
        %mul3A_304 = vector.broadcast %mul3A_303 : f32 to vector<16xf32>
        %mul3A_305 = arith.mulf %get3A_302, %mul3A_304 : vector<16xf32>
        %swap3A_306 = arith.index_cast %add3A_262 : i32 to index
        %swap3A_307 = arith.constant 48 : index
        %swap3A_308 = tpu.vector_load %arg6[%swap3A_306, %swap3A_307] {strides = array<i32>} : memref<256x128xf32, #tpu.memory_space<vmem>>, vector<1x16xf32>,
        %swap3A_309 = vector.shape_cast %swap3A_308 : vector<1x16xf32> to vector<16xf32>
        %swap3A_310 = vector.shape_cast %mul3A_305 : vector<16xf32> to vector<1x16xf32>
        tpu.vector_store %arg6[%swap3A_306, %swap3A_307], %swap3A_310 {strides = array<i32>} : memref<256x128xf32, #tpu.memory_space<vmem>>, vector<1x16xf32>,
        %scan3A_311 = arith.constant 4 : i32
        %scan3A_312 = arith.addi %scan3A_98, %scan3A_311 : i32
        %mul3A_313 = arith.constant 1 : i32
        %mul3A_314 = arith.muli %scan3A_312, %mul3A_313 : i32
        %add3A_315 = arith.constant 0 : i32
        %add3A_316 = arith.addi %add3A_315, %mul3A_314 : i32
        %get3A_317 = arith.index_cast %add3A_316 : i32 to index
        %get3A_318 = arith.constant 0 : index
        %get3A_319 = tpu.vector_load %arg6[%get3A_317, %get3A_318] {strides = array<i32>} : memref<256x128xf32, #tpu.memory_space<vmem>>, vector<1x16xf32>,
        %get3A_320 = vector.shape_cast %get3A_319 : vector<1x16xf32> to vector<16xf32>
        %mul3A_321 = arith.constant 8.000000e+00 : f32
        %mul3A_322 = vector.broadcast %mul3A_321 : f32 to vector<16xf32>
        %mul3A_323 = arith.mulf %get3A_320, %mul3A_322 : vector<16xf32>
        %swap3A_324 = arith.index_cast %add3A_316 : i32 to index
        %swap3A_325 = arith.constant 0 : index
        %swap3A_326 = tpu.vector_load %arg6[%swap3A_324, %swap3A_325] {strides = array<i32>} : memref<256x128xf32, #tpu.memory_space<vmem>>, vector<1x16xf32>,
        %swap3A_327 = vector.shape_cast %swap3A_326 : vector<1x16xf32> to vector<16xf32>
        %swap3A_328 = vector.shape_cast %mul3A_323 : vector<16xf32> to vector<1x16xf32>
        tpu.vector_store %arg6[%swap3A_324, %swap3A_325], %swap3A_328 {strides = array<i32>} : memref<256x128xf32, #tpu.memory_space<vmem>>, vector<1x16xf32>,
        %get3A_329 = arith.index_cast %add3A_316 : i32 to index
        %get3A_330 = arith.constant 16 : index
        %get3A_331 = tpu.vector_load %arg6[%get3A_329, %get3A_330] {strides = array<i32>} : memref<256x128xf32, #tpu.memory_space<vmem>>, vector<1x16xf32>,
        %get3A_332 = vector.shape_cast %get3A_331 : vector<1x16xf32> to vector<16xf32>
        %mul3A_333 = arith.constant 8.000000e+00 : f32
        %mul3A_334 = vector.broadcast %mul3A_333 : f32 to vector<16xf32>
        %mul3A_335 = arith.mulf %get3A_332, %mul3A_334 : vector<16xf32>
        %swap3A_336 = arith.index_cast %add3A_316 : i32 to index
        %swap3A_337 = arith.constant 16 : index
        %swap3A_338 = tpu.vector_load %arg6[%swap3A_336, %swap3A_337] {strides = array<i32>} : memref<256x128xf32, #tpu.memory_space<vmem>>, vector<1x16xf32>,
        %swap3A_339 = vector.shape_cast %swap3A_338 : vector<1x16xf32> to vector<16xf32>
        %swap3A_340 = vector.shape_cast %mul3A_335 : vector<16xf32> to vector<1x16xf32>
        tpu.vector_store %arg6[%swap3A_336, %swap3A_337], %swap3A_340 {strides = array<i32>} : memref<256x128xf32, #tpu.memory_space<vmem>>, vector<1x16xf32>,
        %get3A_341 = arith.index_cast %add3A_316 : i32 to index
        %get3A_342 = arith.constant 32 : index
        %get3A_343 = tpu.vector_load %arg6[%get3A_341, %get3A_342] {strides = array<i32>} : memref<256x128xf32, #tpu.memory_space<vmem>>, vector<1x16xf32>,
        %get3A_344 = vector.shape_cast %get3A_343 : vector<1x16xf32> to vector<16xf32>
        %mul3A_345 = arith.constant 8.000000e+00 : f32
        %mul3A_346 = vector.broadcast %mul3A_345 : f32 to vector<16xf32>
        %mul3A_347 = arith.mulf %get3A_344, %mul3A_346 : vector<16xf32>
        %swap3A_348 = arith.index_cast %add3A_316 : i32 to index
        %swap3A_349 = arith.constant 32 : index
        %swap3A_350 = tpu.vector_load %arg6[%swap3A_348, %swap3A_349] {strides = array<i32>} : memref<256x128xf32, #tpu.memory_space<vmem>>, vector<1x16xf32>,
        %swap3A_351 = vector.shape_cast %swap3A_350 : vector<1x16xf32> to vector<16xf32>
        %swap3A_352 = vector.shape_cast %mul3A_347 : vector<16xf32> to vector<1x16xf32>
        tpu.vector_store %arg6[%swap3A_348, %swap3A_349], %swap3A_352 {strides = array<i32>} : memref<256x128xf32, #tpu.memory_space<vmem>>, vector<1x16xf32>,
        %get3A_353 = arith.index_cast %add3A_316 : i32 to index
        %get3A_354 = arith.constant 48 : index
        %get3A_355 = tpu.vector_load %arg6[%get3A_353, %get3A_354] {strides = array<i32>} : memref<256x128xf32, #tpu.memory_space<vmem>>, vector<1x16xf32>,
        %get3A_356 = vector.shape_cast %get3A_355 : vector<1x16xf32> to vector<16xf32>
        %mul3A_357 = arith.constant 8.000000e+00 : f32
        %mul3A_358 = vector.broadcast %mul3A_357 : f32 to vector<16xf32>
        %mul3A_359 = arith.mulf %get3A_356, %mul3A_358 : vector<16xf32>
        %swap3A_360 = arith.index_cast %add3A_316 : i32 to index
        %swap3A_361 = arith.constant 48 : index
        %swap3A_362 = tpu.vector_load %arg6[%swap3A_360, %swap3A_361] {strides = array<i32>} : memref<256x128xf32, #tpu.memory_space<vmem>>, vector<1x16xf32>,
        %swap3A_363 = vector.shape_cast %swap3A_362 : vector<1x16xf32> to vector<16xf32>
        %swap3A_364 = vector.shape_cast %mul3A_359 : vector<16xf32> to vector<1x16xf32>
        tpu.vector_store %arg6[%swap3A_360, %swap3A_361], %swap3A_364 {strides = array<i32>} : memref<256x128xf32, #tpu.memory_space<vmem>>, vector<1x16xf32>,
        %scan3A_365 = arith.constant 5 : i32
        %scan3A_366 = arith.addi %scan3A_98, %scan3A_365 : i32
        %mul3A_367 = arith.constant 1 : i32
        %mul3A_368 = arith.muli %scan3A_366, %mul3A_367 : i32
        %add3A_369 = arith.constant 0 : i32
        %add3A_370 = arith.addi %add3A_369, %mul3A_368 : i32
        %get3A_371 = arith.index_cast %add3A_370 : i32 to index
        %get3A_372 = arith.constant 0 : index
        %get3A_373 = tpu.vector_load %arg6[%get3A_371, %get3A_372] {strides = array<i32>} : memref<256x128xf32, #tpu.memory_space<vmem>>, vector<1x16xf32>,
        %get3A_374 = vector.shape_cast %get3A_373 : vector<1x16xf32> to vector<16xf32>
        %mul3A_375 = arith.constant 8.000000e+00 : f32
        %mul3A_376 = vector.broadcast %mul3A_375 : f32 to vector<16xf32>
        %mul3A_377 = arith.mulf %get3A_374, %mul3A_376 : vector<16xf32>
        %swap3A_378 = arith.index_cast %add3A_370 : i32 to index
        %swap3A_379 = arith.constant 0 : index
        %swap3A_380 = tpu.vector_load %arg6[%swap3A_378, %swap3A_379] {strides = array<i32>} : memref<256x128xf32, #tpu.memory_space<vmem>>, vector<1x16xf32>,
        %swap3A_381 = vector.shape_cast %swap3A_380 : vector<1x16xf32> to vector<16xf32>
        %swap3A_382 = vector.shape_cast %mul3A_377 : vector<16xf32> to vector<1x16xf32>
        tpu.vector_store %arg6[%swap3A_378, %swap3A_379], %swap3A_382 {strides = array<i32>} : memref<256x128xf32, #tpu.memory_space<vmem>>, vector<1x16xf32>,
        %get3A_383 = arith.index_cast %add3A_370 : i32 to index
        %get3A_384 = arith.constant 16 : index
        %get3A_385 = tpu.vector_load %arg6[%get3A_383, %get3A_384] {strides = array<i32>} : memref<256x128xf32, #tpu.memory_space<vmem>>, vector<1x16xf32>,
        %get3A_386 = vector.shape_cast %get3A_385 : vector<1x16xf32> to vector<16xf32>
        %mul3A_387 = arith.constant 8.000000e+00 : f32
        %mul3A_388 = vector.broadcast %mul3A_387 : f32 to vector<16xf32>
        %mul3A_389 = arith.mulf %get3A_386, %mul3A_388 : vector<16xf32>
        %swap3A_390 = arith.index_cast %add3A_370 : i32 to index
        %swap3A_391 = arith.constant 16 : index
        %swap3A_392 = tpu.vector_load %arg6[%swap3A_390, %swap3A_391] {strides = array<i32>} : memref<256x128xf32, #tpu.memory_space<vmem>>, vector<1x16xf32>,
        %swap3A_393 = vector.shape_cast %swap3A_392 : vector<1x16xf32> to vector<16xf32>
        %swap3A_394 = vector.shape_cast %mul3A_389 : vector<16xf32> to vector<1x16xf32>
        tpu.vector_store %arg6[%swap3A_390, %swap3A_391], %swap3A_394 {strides = array<i32>} : memref<256x128xf32, #tpu.memory_space<vmem>>, vector<1x16xf32>,
        %get3A_395 = arith.index_cast %add3A_370 : i32 to index
        %get3A_396 = arith.constant 32 : index
        %get3A_397 = tpu.vector_load %arg6[%get3A_395, %get3A_396] {strides = array<i32>} : memref<256x128xf32, #tpu.memory_space<vmem>>, vector<1x16xf32>,
        %get3A_398 = vector.shape_cast %get3A_397 : vector<1x16xf32> to vector<16xf32>
        %mul3A_399 = arith.constant 8.000000e+00 : f32
        %mul3A_400 = vector.broadcast %mul3A_399 : f32 to vector<16xf32>
        %mul3A_401 = arith.mulf %get3A_398, %mul3A_400 : vector<16xf32>
        %swap3A_402 = arith.index_cast %add3A_370 : i32 to index
        %swap3A_403 = arith.constant 32 : index
        %swap3A_404 = tpu.vector_load %arg6[%swap3A_402, %swap3A_403] {strides = array<i32>} : memref<256x128xf32, #tpu.memory_space<vmem>>, vector<1x16xf32>,
        %swap3A_405 = vector.shape_cast %swap3A_404 : vector<1x16xf32> to vector<16xf32>
        %swap3A_406 = vector.shape_cast %mul3A_401 : vector<16xf32> to vector<1x16xf32>
        tpu.vector_store %arg6[%swap3A_402, %swap3A_403], %swap3A_406 {strides = array<i32>} : memref<256x128xf32, #tpu.memory_space<vmem>>, vector<1x16xf32>,
        %get3A_407 = arith.index_cast %add3A_370 : i32 to index
        %get3A_408 = arith.constant 48 : index
        %get3A_409 = tpu.vector_load %arg6[%get3A_407, %get3A_408] {strides = array<i32>} : memref<256x128xf32, #tpu.memory_space<vmem>>, vector<1x16xf32>,
        %get3A_410 = vector.shape_cast %get3A_409 : vector<1x16xf32> to vector<16xf32>
        %mul3A_411 = arith.constant 8.000000e+00 : f32
        %mul3A_412 = vector.broadcast %mul3A_411 : f32 to vector<16xf32>
        %mul3A_413 = arith.mulf %get3A_410, %mul3A_412 : vector<16xf32>
        %swap3A_414 = arith.index_cast %add3A_370 : i32 to index
        %swap3A_415 = arith.constant 48 : index
        %swap3A_416 = tpu.vector_load %arg6[%swap3A_414, %swap3A_415] {strides = array<i32>} : memref<256x128xf32, #tpu.memory_space<vmem>>, vector<1x16xf32>,
        %swap3A_417 = vector.shape_cast %swap3A_416 : vector<1x16xf32> to vector<16xf32>
        %swap3A_418 = vector.shape_cast %mul3A_413 : vector<16xf32> to vector<1x16xf32>
        tpu.vector_store %arg6[%swap3A_414, %swap3A_415], %swap3A_418 {strides = array<i32>} : memref<256x128xf32, #tpu.memory_space<vmem>>, vector<1x16xf32>,
        %scan3A_419 = arith.constant 6 : i32
        %scan3A_420 = arith.addi %scan3A_98, %scan3A_419 : i32
        %mul3A_421 = arith.constant 1 : i32
        %mul3A_422 = arith.muli %scan3A_420, %mul3A_421 : i32
        %add3A_423 = arith.constant 0 : i32
        %add3A_424 = arith.addi %add3A_423, %mul3A_422 : i32
        %get3A_425 = arith.index_cast %add3A_424 : i32 to index
        %get3A_426 = arith.constant 0 : index
        %get3A_427 = tpu.vector_load %arg6[%get3A_425, %get3A_426] {strides = array<i32>} : memref<256x128xf32, #tpu.memory_space<vmem>>, vector<1x16xf32>,
        %get3A_428 = vector.shape_cast %get3A_427 : vector<1x16xf32> to vector<16xf32>
        %mul3A_429 = arith.constant 8.000000e+00 : f32
        %mul3A_430 = vector.broadcast %mul3A_429 : f32 to vector<16xf32>
        %mul3A_431 = arith.mulf %get3A_428, %mul3A_430 : vector<16xf32>
        %swap3A_432 = arith.index_cast %add3A_424 : i32 to index
        %swap3A_433 = arith.constant 0 : index
        %swap3A_434 = tpu.vector_load %arg6[%swap3A_432, %swap3A_433] {strides = array<i32>} : memref<256x128xf32, #tpu.memory_space<vmem>>, vector<1x16xf32>,
        %swap3A_435 = vector.shape_cast %swap3A_434 : vector<1x16xf32> to vector<16xf32>
        %swap3A_436 = vector.shape_cast %mul3A_431 : vector<16xf32> to vector<1x16xf32>
        tpu.vector_store %arg6[%swap3A_432, %swap3A_433], %swap3A_436 {strides = array<i32>} : memref<256x128xf32, #tpu.memory_space<vmem>>, vector<1x16xf32>,
        %get3A_437 = arith.index_cast %add3A_424 : i32 to index
        %get3A_438 = arith.constant 16 : index
        %get3A_439 = tpu.vector_load %arg6[%get3A_437, %get3A_438] {strides = array<i32>} : memref<256x128xf32, #tpu.memory_space<vmem>>, vector<1x16xf32>,
        %get3A_440 = vector.shape_cast %get3A_439 : vector<1x16xf32> to vector<16xf32>
        %mul3A_441 = arith.constant 8.000000e+00 : f32
        %mul3A_442 = vector.broadcast %mul3A_441 : f32 to vector<16xf32>
        %mul3A_443 = arith.mulf %get3A_440, %mul3A_442 : vector<16xf32>
        %swap3A_444 = arith.index_cast %add3A_424 : i32 to index
        %swap3A_445 = arith.constant 16 : index
        %swap3A_446 = tpu.vector_load %arg6[%swap3A_444, %swap3A_445] {strides = array<i32>} : memref<256x128xf32, #tpu.memory_space<vmem>>, vector<1x16xf32>,
        %swap3A_447 = vector.shape_cast %swap3A_446 : vector<1x16xf32> to vector<16xf32>
        %swap3A_448 = vector.shape_cast %mul3A_443 : vector<16xf32> to vector<1x16xf32>
        tpu.vector_store %arg6[%swap3A_444, %swap3A_445], %swap3A_448 {strides = array<i32>} : memref<256x128xf32, #tpu.memory_space<vmem>>, vector<1x16xf32>,
        %get3A_449 = arith.index_cast %add3A_424 : i32 to index
        %get3A_450 = arith.constant 32 : index
        %get3A_451 = tpu.vector_load %arg6[%get3A_449, %get3A_450] {strides = array<i32>} : memref<256x128xf32, #tpu.memory_space<vmem>>, vector<1x16xf32>,
        %get3A_452 = vector.shape_cast %get3A_451 : vector<1x16xf32> to vector<16xf32>
        %mul3A_453 = arith.constant 8.000000e+00 : f32
        %mul3A_454 = vector.broadcast %mul3A_453 : f32 to vector<16xf32>
        %mul3A_455 = arith.mulf %get3A_452, %mul3A_454 : vector<16xf32>
        %swap3A_456 = arith.index_cast %add3A_424 : i32 to index
        %swap3A_457 = arith.constant 32 : index
        %swap3A_458 = tpu.vector_load %arg6[%swap3A_456, %swap3A_457] {strides = array<i32>} : memref<256x128xf32, #tpu.memory_space<vmem>>, vector<1x16xf32>,
        %swap3A_459 = vector.shape_cast %swap3A_458 : vector<1x16xf32> to vector<16xf32>
        %swap3A_460 = vector.shape_cast %mul3A_455 : vector<16xf32> to vector<1x16xf32>
        tpu.vector_store %arg6[%swap3A_456, %swap3A_457], %swap3A_460 {strides = array<i32>} : memref<256x128xf32, #tpu.memory_space<vmem>>, vector<1x16xf32>,
        %get3A_461 = arith.index_cast %add3A_424 : i32 to index
        %get3A_462 = arith.constant 48 : index
        %get3A_463 = tpu.vector_load %arg6[%get3A_461, %get3A_462] {strides = array<i32>} : memref<256x128xf32, #tpu.memory_space<vmem>>, vector<1x16xf32>,
        %get3A_464 = vector.shape_cast %get3A_463 : vector<1x16xf32> to vector<16xf32>
        %mul3A_465 = arith.constant 8.000000e+00 : f32
        %mul3A_466 = vector.broadcast %mul3A_465 : f32 to vector<16xf32>
        %mul3A_467 = arith.mulf %get3A_464, %mul3A_466 : vector<16xf32>
        %swap3A_468 = arith.index_cast %add3A_424 : i32 to index
        %swap3A_469 = arith.constant 48 : index
        %swap3A_470 = tpu.vector_load %arg6[%swap3A_468, %swap3A_469] {strides = array<i32>} : memref<256x128xf32, #tpu.memory_space<vmem>>, vector<1x16xf32>,
        %swap3A_471 = vector.shape_cast %swap3A_470 : vector<1x16xf32> to vector<16xf32>
        %swap3A_472 = vector.shape_cast %mul3A_467 : vector<16xf32> to vector<1x16xf32>
        tpu.vector_store %arg6[%swap3A_468, %swap3A_469], %swap3A_472 {strides = array<i32>} : memref<256x128xf32, #tpu.memory_space<vmem>>, vector<1x16xf32>,
        %scan3A_473 = arith.constant 7 : i32
        %scan3A_474 = arith.addi %scan3A_98, %scan3A_473 : i32
        %mul3A_475 = arith.constant 1 : i32
        %mul3A_476 = arith.muli %scan3A_474, %mul3A_475 : i32
        %add3A_477 = arith.constant 0 : i32
        %add3A_478 = arith.addi %add3A_477, %mul3A_476 : i32
        %get3A_479 = arith.index_cast %add3A_478 : i32 to index
        %get3A_480 = arith.constant 0 : index
        %get3A_481 = tpu.vector_load %arg6[%get3A_479, %get3A_480] {strides = array<i32>} : memref<256x128xf32, #tpu.memory_space<vmem>>, vector<1x16xf32>,
        %get3A_482 = vector.shape_cast %get3A_481 : vector<1x16xf32> to vector<16xf32>
        %mul3A_483 = arith.constant 8.000000e+00 : f32
        %mul3A_484 = vector.broadcast %mul3A_483 : f32 to vector<16xf32>
        %mul3A_485 = arith.mulf %get3A_482, %mul3A_484 : vector<16xf32>
        %swap3A_486 = arith.index_cast %add3A_478 : i32 to index
        %swap3A_487 = arith.constant 0 : index
        %swap3A_488 = tpu.vector_load %arg6[%swap3A_486, %swap3A_487] {strides = array<i32>} : memref<256x128xf32, #tpu.memory_space<vmem>>, vector<1x16xf32>,
        %swap3A_489 = vector.shape_cast %swap3A_488 : vector<1x16xf32> to vector<16xf32>
        %swap3A_490 = vector.shape_cast %mul3A_485 : vector<16xf32> to vector<1x16xf32>
        tpu.vector_store %arg6[%swap3A_486, %swap3A_487], %swap3A_490 {strides = array<i32>} : memref<256x128xf32, #tpu.memory_space<vmem>>, vector<1x16xf32>,
        %get3A_491 = arith.index_cast %add3A_478 : i32 to index
        %get3A_492 = arith.constant 16 : index
        %get3A_493 = tpu.vector_load %arg6[%get3A_491, %get3A_492] {strides = array<i32>} : memref<256x128xf32, #tpu.memory_space<vmem>>, vector<1x16xf32>,
        %get3A_494 = vector.shape_cast %get3A_493 : vector<1x16xf32> to vector<16xf32>
        %mul3A_495 = arith.constant 8.000000e+00 : f32
        %mul3A_496 = vector.broadcast %mul3A_495 : f32 to vector<16xf32>
        %mul3A_497 = arith.mulf %get3A_494, %mul3A_496 : vector<16xf32>
        %swap3A_498 = arith.index_cast %add3A_478 : i32 to index
        %swap3A_499 = arith.constant 16 : index
        %swap3A_500 = tpu.vector_load %arg6[%swap3A_498, %swap3A_499] {strides = array<i32>} : memref<256x128xf32, #tpu.memory_space<vmem>>, vector<1x16xf32>,
        %swap3A_501 = vector.shape_cast %swap3A_500 : vector<1x16xf32> to vector<16xf32>
        %swap3A_502 = vector.shape_cast %mul3A_497 : vector<16xf32> to vector<1x16xf32>
        tpu.vector_store %arg6[%swap3A_498, %swap3A_499], %swap3A_502 {strides = array<i32>} : memref<256x128xf32, #tpu.memory_space<vmem>>, vector<1x16xf32>,
        %get3A_503 = arith.index_cast %add3A_478 : i32 to index
        %get3A_504 = arith.constant 32 : index
        %get3A_505 = tpu.vector_load %arg6[%get3A_503, %get3A_504] {strides = array<i32>} : memref<256x128xf32, #tpu.memory_space<vmem>>, vector<1x16xf32>,
        %get3A_506 = vector.shape_cast %get3A_505 : vector<1x16xf32> to vector<16xf32>
        %mul3A_507 = arith.constant 8.000000e+00 : f32
        %mul3A_508 = vector.broadcast %mul3A_507 : f32 to vector<16xf32>
        %mul3A_509 = arith.mulf %get3A_506, %mul3A_508 : vector<16xf32>
        %swap3A_510 = arith.index_cast %add3A_478 : i32 to index
        %swap3A_511 = arith.constant 32 : index
        %swap3A_512 = tpu.vector_load %arg6[%swap3A_510, %swap3A_511] {strides = array<i32>} : memref<256x128xf32, #tpu.memory_space<vmem>>, vector<1x16xf32>,
        %swap3A_513 = vector.shape_cast %swap3A_512 : vector<1x16xf32> to vector<16xf32>
        %swap3A_514 = vector.shape_cast %mul3A_509 : vector<16xf32> to vector<1x16xf32>
        tpu.vector_store %arg6[%swap3A_510, %swap3A_511], %swap3A_514 {strides = array<i32>} : memref<256x128xf32, #tpu.memory_space<vmem>>, vector<1x16xf32>,
        %get3A_515 = arith.index_cast %add3A_478 : i32 to index
        %get3A_516 = arith.constant 48 : index
        %get3A_517 = tpu.vector_load %arg6[%get3A_515, %get3A_516] {strides = array<i32>} : memref<256x128xf32, #tpu.memory_space<vmem>>, vector<1x16xf32>,
        %get3A_518 = vector.shape_cast %get3A_517 : vector<1x16xf32> to vector<16xf32>
        %mul3A_519 = arith.constant 8.000000e+00 : f32
        %mul3A_520 = vector.broadcast %mul3A_519 : f32 to vector<16xf32>
        %mul3A_521 = arith.mulf %get3A_518, %mul3A_520 : vector<16xf32>
        %swap3A_522 = arith.index_cast %add3A_478 : i32 to index
        %swap3A_523 = arith.constant 48 : index
        %swap3A_524 = tpu.vector_load %arg6[%swap3A_522, %swap3A_523] {strides = array<i32>} : memref<256x128xf32, #tpu.memory_space<vmem>>, vector<1x16xf32>,
        %swap3A_525 = vector.shape_cast %swap3A_524 : vector<1x16xf32> to vector<16xf32>
        %swap3A_526 = vector.shape_cast %mul3A_521 : vector<16xf32> to vector<1x16xf32>
        tpu.vector_store %arg6[%swap3A_522, %swap3A_523], %swap3A_526 {strides = array<i32>} : memref<256x128xf32, #tpu.memory_space<vmem>>, vector<1x16xf32>,
      }
      %scan3A_58 = arith.constant 256 : i32
      %mul3A_59 = arith.constant 256 : i32
      %mul3A_60 = arith.muli %add3A_39, %mul3A_59 : i32
      %add3A_61 = arith.addi %mul3A_4, %mul3A_60 : i32
      %dma_start3A_62 = arith.constant 0 : i32
      %dma_start3A_63 = tpu.memref_slice %arg4[%add3A_61, %dma_start3A_62] : memref<819200x128xf32, #tpu.memory_space<hbm>> -> memref<256x128xf32, #tpu.memory_space<hbm>>
      %dma_start3A_64 = arith.constant 0 : i32
      %dma_start3A_65 = tpu.memref_slice %arg4[%add3A_61, %dma_start3A_64] : memref<819200x128xf32, #tpu.memory_space<hbm>> -> memref<256x128xf32, #tpu.memory_space<hbm>>
      tpu.enqueue_dma source(%arg6 : memref<256x128xf32, #tpu.memory_space<vmem>>) target(%dma_start3A_65 : memref<256x128xf32, #tpu.memory_space<hbm>>) target_semaphore(%arg10 : memref<!tpu.dma_semaphore, #tpu.memory_space<semaphore_mem>>)
      %add3A_66 = arith.constant 1 : i32
      %add3A_67 = arith.addi %add3A_37, %add3A_66 : i32
      %ge3A_68 = arith.constant 1 : i32
      %ge3A_69 = arith.cmpi sge, %add3A_67, %ge3A_68 : i32
      %convert_element_type3A_70 = arith.extui %ge3A_69 : i1 to i32
      %cond3A_71 = arith.constant 0 : i32
      %cond3A_72 = arith.cmpi ne, %convert_element_type3A_70, %cond3A_71 : i32
      scf.if %cond3A_72 {
        %dma_wait3A_98 = arith.constant 0 : i32
        %dma_wait3A_99 = arith.constant 0 : i32
        %dma_wait3A_100 = tpu.memref_slice %arg4[%dma_wait3A_98, %dma_wait3A_99] : memref<819200x128xf32, #tpu.memory_space<hbm>> -> memref<256x128xf32, #tpu.memory_space<hbm>>
        %dma_wait3A_101 = arith.constant 0 : i32
        %dma_wait3A_102 = arith.constant 0 : i32
        %dma_wait3A_103 = tpu.memref_slice %arg4[%dma_wait3A_101, %dma_wait3A_102] : memref<819200x128xf32, #tpu.memory_space<hbm>> -> memref<256x128xf32, #tpu.memory_space<hbm>>
        tpu.wait_dma2 semaphore(%arg10 : memref<!tpu.dma_semaphore, #tpu.memory_space<semaphore_mem>>) src(%arg6 : memref<256x128xf32, #tpu.memory_space<vmem>>) dst(%dma_wait3A_103 : memref<256x128xf32, #tpu.memory_space<hbm>>)
      } else {
      }
      %add3A_73 = arith.constant 1 : i32
      %add3A_74 = arith.addi %add3A_67, %add3A_73 : i32
      %lt3A_75 = arith.constant 100 : i32
      %lt3A_76 = arith.cmpi slt, %add3A_74, %lt3A_75 : i32
      %convert_element_type3A_77 = arith.extui %lt3A_76 : i1 to i32
      %cond3A_78 = arith.constant 0 : i32
      %cond3A_79 = arith.cmpi ne, %convert_element_type3A_77, %cond3A_78 : i32
      scf.if %cond3A_79 {
        %add3A_98 = arith.constant 1 : i32
        %add3A_99 = arith.addi %add3A_67, %add3A_98 : i32
        %mul3A_100 = arith.constant 2 : i32
        %mul3A_101 = arith.muli %add3A_99, %mul3A_100 : i32
        %add3A_102 = arith.constant 0 : i32
        %add3A_103 = arith.addi %mul3A_101, %add3A_102 : i32
        %dma_start3A_104 = arith.constant 0 : i32
        %dma_start3A_105 = arith.constant 0 : i32
        %dma_start3A_106 = tpu.memref_slice %arg6[%dma_start3A_104, %dma_start3A_105] : memref<256x128xf32, #tpu.memory_space<vmem>> -> memref<128x128xf32, #tpu.memory_space<vmem>>
        %dma_start3A_107 = arith.constant 0 : i32
        %dma_start3A_108 = tpu.memref_slice %arg5[%add3A_103, %dma_start3A_107] : memref<200x128xi32, #tpu.memory_space<vmem>> -> memref<1x128xi32, #tpu.memory_space<vmem>>
        %dma_start3A_109 = tpu.memref_squeeze %dma_start3A_108 : memref<1x128xi32, #tpu.memory_space<vmem>> -> memref<128xi32, #tpu.memory_space<vmem>>
        %dma_start3A_110 = arith.constant 0 : i32
        %dma_start3A_111 = arith.constant 0 : i32
        %dma_start3A_112 = tpu.memref_slice %arg2[%dma_start3A_110, %dma_start3A_111] : memref<1000000x128xf32, #tpu.memory_space<hbm>> -> memref<1000000x128xf32, #tpu.memory_space<hbm>>
        tpu.enqueue_indirect_dma source(%dma_start3A_112 : memref<1000000x128xf32, #tpu.memory_space<hbm>>) target(%dma_start3A_106 : memref<128x128xf32, #tpu.memory_space<vmem>>) offsets(%dma_start3A_109 : memref<128xi32, #tpu.memory_space<vmem>>) semaphore(%arg8 : memref<!tpu.dma_semaphore, #tpu.memory_space<semaphore_mem>>)
        %mul3A_113 = arith.constant 2 : i32
        %mul3A_114 = arith.muli %add3A_99, %mul3A_113 : i32
        %add3A_115 = arith.constant 1 : i32
        %add3A_116 = arith.addi %mul3A_114, %add3A_115 : i32
        %dma_start3A_117 = arith.constant 128 : i32
        %dma_start3A_118 = arith.constant 0 : i32
        %dma_start3A_119 = tpu.memref_slice %arg6[%dma_start3A_117, %dma_start3A_118] : memref<256x128xf32, #tpu.memory_space<vmem>> -> memref<128x128xf32, #tpu.memory_space<vmem>>
        %dma_start3A_120 = arith.constant 0 : i32
        %dma_start3A_121 = tpu.memref_slice %arg5[%add3A_116, %dma_start3A_120] : memref<200x128xi32, #tpu.memory_space<vmem>> -> memref<1x128xi32, #tpu.memory_space<vmem>>
        %dma_start3A_122 = tpu.memref_squeeze %dma_start3A_121 : memref<1x128xi32, #tpu.memory_space<vmem>> -> memref<128xi32, #tpu.memory_space<vmem>>
        %dma_start3A_123 = arith.constant 0 : i32
        %dma_start3A_124 = arith.constant 0 : i32
        %dma_start3A_125 = tpu.memref_slice %arg2[%dma_start3A_123, %dma_start3A_124] : memref<1000000x128xf32, #tpu.memory_space<hbm>> -> memref<1000000x128xf32, #tpu.memory_space<hbm>>
        tpu.enqueue_indirect_dma source(%dma_start3A_125 : memref<1000000x128xf32, #tpu.memory_space<hbm>>) target(%dma_start3A_119 : memref<128x128xf32, #tpu.memory_space<vmem>>) offsets(%dma_start3A_122 : memref<128xi32, #tpu.memory_space<vmem>>) semaphore(%arg8 : memref<!tpu.dma_semaphore, #tpu.memory_space<semaphore_mem>>)
      } else {
      }
      %dma_wait3A_80 = arith.constant 0 : i32
      %dma_wait3A_81 = arith.constant 0 : i32
      %dma_wait3A_82 = tpu.memref_slice %arg2[%dma_wait3A_80, %dma_wait3A_81] : memref<1000000x128xf32, #tpu.memory_space<hbm>> -> memref<256x128xf32, #tpu.memory_space<hbm>>
      %dma_wait3A_83 = arith.constant 0 : i32
      %dma_wait3A_84 = arith.constant 0 : i32
      %dma_wait3A_85 = tpu.memref_slice %arg2[%dma_wait3A_83, %dma_wait3A_84] : memref<1000000x128xf32, #tpu.memory_space<hbm>> -> memref<256x128xf32, #tpu.memory_space<hbm>>
      tpu.wait_dma2 semaphore(%arg9 : memref<!tpu.dma_semaphore, #tpu.memory_space<semaphore_mem>>) src(%dma_wait3A_85 : memref<256x128xf32, #tpu.memory_space<hbm>>) dst(%arg7 : memref<256x128xf32, #tpu.memory_space<vmem>>)
      %scan3A_86 = arith.constant 0 : i32
      %scan3A_87 = arith.constant 256 : i32
      %scan3A_88 = arith.addi %scan3A_86, %scan3A_87 : i32
      %scan3A_89 = arith.constant 8 : i32
      scf.for %scan3A_98 = %scan3A_86 to %scan3A_88 step %scan3A_89  : i32 {
        %mul3A_99 = arith.constant 1 : i32
        %mul3A_100 = arith.muli %scan3A_98, %mul3A_99 : i32
        %add3A_101 = arith.constant 0 : i32
        %add3A_102 = arith.addi %add3A_101, %mul3A_100 : i32
        %get3A = arith.index_cast %add3A_102 : i32 to index
        %get3A_103 = arith.constant 0 : index
        %get3A_104 = tpu.vector_load %arg7[%get3A, %get3A_103] {strides = array<i32>} : memref<256x128xf32, #tpu.memory_space<vmem>>, vector<1x16xf32>,
        %get3A_105 = vector.shape_cast %get3A_104 : vector<1x16xf32> to vector<16xf32>
        %mul3A_106 = arith.constant 8.000000e+00 : f32
        %mul3A_107 = vector.broadcast %mul3A_106 : f32 to vector<16xf32>
        %mul3A_108 = arith.mulf %get3A_105, %mul3A_107 : vector<16xf32>
        %swap3A = arith.index_cast %add3A_102 : i32 to index
        %swap3A_109 = arith.constant 0 : index
        %swap3A_110 = tpu.vector_load %arg7[%swap3A, %swap3A_109] {strides = array<i32>} : memref<256x128xf32, #tpu.memory_space<vmem>>, vector<1x16xf32>,
        %swap3A_111 = vector.shape_cast %swap3A_110 : vector<1x16xf32> to vector<16xf32>
        %swap3A_112 = vector.shape_cast %mul3A_108 : vector<16xf32> to vector<1x16xf32>
        tpu.vector_store %arg7[%swap3A, %swap3A_109], %swap3A_112 {strides = array<i32>} : memref<256x128xf32, #tpu.memory_space<vmem>>, vector<1x16xf32>,
        %get3A_113 = arith.index_cast %add3A_102 : i32 to index
        %get3A_114 = arith.constant 16 : index
        %get3A_115 = tpu.vector_load %arg7[%get3A_113, %get3A_114] {strides = array<i32>} : memref<256x128xf32, #tpu.memory_space<vmem>>, vector<1x16xf32>,
        %get3A_116 = vector.shape_cast %get3A_115 : vector<1x16xf32> to vector<16xf32>
        %mul3A_117 = arith.constant 8.000000e+00 : f32
        %mul3A_118 = vector.broadcast %mul3A_117 : f32 to vector<16xf32>
        %mul3A_119 = arith.mulf %get3A_116, %mul3A_118 : vector<16xf32>
        %swap3A_120 = arith.index_cast %add3A_102 : i32 to index
        %swap3A_121 = arith.constant 16 : index
        %swap3A_122 = tpu.vector_load %arg7[%swap3A_120, %swap3A_121] {strides = array<i32>} : memref<256x128xf32, #tpu.memory_space<vmem>>, vector<1x16xf32>,
        %swap3A_123 = vector.shape_cast %swap3A_122 : vector<1x16xf32> to vector<16xf32>
        %swap3A_124 = vector.shape_cast %mul3A_119 : vector<16xf32> to vector<1x16xf32>
        tpu.vector_store %arg7[%swap3A_120, %swap3A_121], %swap3A_124 {strides = array<i32>} : memref<256x128xf32, #tpu.memory_space<vmem>>, vector<1x16xf32>,
        %get3A_125 = arith.index_cast %add3A_102 : i32 to index
        %get3A_126 = arith.constant 32 : index
        %get3A_127 = tpu.vector_load %arg7[%get3A_125, %get3A_126] {strides = array<i32>} : memref<256x128xf32, #tpu.memory_space<vmem>>, vector<1x16xf32>,
        %get3A_128 = vector.shape_cast %get3A_127 : vector<1x16xf32> to vector<16xf32>
        %mul3A_129 = arith.constant 8.000000e+00 : f32
        %mul3A_130 = vector.broadcast %mul3A_129 : f32 to vector<16xf32>
        %mul3A_131 = arith.mulf %get3A_128, %mul3A_130 : vector<16xf32>
        %swap3A_132 = arith.index_cast %add3A_102 : i32 to index
        %swap3A_133 = arith.constant 32 : index
        %swap3A_134 = tpu.vector_load %arg7[%swap3A_132, %swap3A_133] {strides = array<i32>} : memref<256x128xf32, #tpu.memory_space<vmem>>, vector<1x16xf32>,
        %swap3A_135 = vector.shape_cast %swap3A_134 : vector<1x16xf32> to vector<16xf32>
        %swap3A_136 = vector.shape_cast %mul3A_131 : vector<16xf32> to vector<1x16xf32>
        tpu.vector_store %arg7[%swap3A_132, %swap3A_133], %swap3A_136 {strides = array<i32>} : memref<256x128xf32, #tpu.memory_space<vmem>>, vector<1x16xf32>,
        %get3A_137 = arith.index_cast %add3A_102 : i32 to index
        %get3A_138 = arith.constant 48 : index
        %get3A_139 = tpu.vector_load %arg7[%get3A_137, %get3A_138] {strides = array<i32>} : memref<256x128xf32, #tpu.memory_space<vmem>>, vector<1x16xf32>,
        %get3A_140 = vector.shape_cast %get3A_139 : vector<1x16xf32> to vector<16xf32>
        %mul3A_141 = arith.constant 8.000000e+00 : f32
        %mul3A_142 = vector.broadcast %mul3A_141 : f32 to vector<16xf32>
        %mul3A_143 = arith.mulf %get3A_140, %mul3A_142 : vector<16xf32>
        %swap3A_144 = arith.index_cast %add3A_102 : i32 to index
        %swap3A_145 = arith.constant 48 : index
        %swap3A_146 = tpu.vector_load %arg7[%swap3A_144, %swap3A_145] {strides = array<i32>} : memref<256x128xf32, #tpu.memory_space<vmem>>, vector<1x16xf32>,
        %swap3A_147 = vector.shape_cast %swap3A_146 : vector<1x16xf32> to vector<16xf32>
        %swap3A_148 = vector.shape_cast %mul3A_143 : vector<16xf32> to vector<1x16xf32>
        tpu.vector_store %arg7[%swap3A_144, %swap3A_145], %swap3A_148 {strides = array<i32>} : memref<256x128xf32, #tpu.memory_space<vmem>>, vector<1x16xf32>,
        %scan3A_149 = arith.constant 1 : i32
        %scan3A_150 = arith.addi %scan3A_98, %scan3A_149 : i32
        %mul3A_151 = arith.constant 1 : i32
        %mul3A_152 = arith.muli %scan3A_150, %mul3A_151 : i32
        %add3A_153 = arith.constant 0 : i32
        %add3A_154 = arith.addi %add3A_153, %mul3A_152 : i32
        %get3A_155 = arith.index_cast %add3A_154 : i32 to index
        %get3A_156 = arith.constant 0 : index
        %get3A_157 = tpu.vector_load %arg7[%get3A_155, %get3A_156] {strides = array<i32>} : memref<256x128xf32, #tpu.memory_space<vmem>>, vector<1x16xf32>,
        %get3A_158 = vector.shape_cast %get3A_157 : vector<1x16xf32> to vector<16xf32>
        %mul3A_159 = arith.constant 8.000000e+00 : f32
        %mul3A_160 = vector.broadcast %mul3A_159 : f32 to vector<16xf32>
        %mul3A_161 = arith.mulf %get3A_158, %mul3A_160 : vector<16xf32>
        %swap3A_162 = arith.index_cast %add3A_154 : i32 to index
        %swap3A_163 = arith.constant 0 : index
        %swap3A_164 = tpu.vector_load %arg7[%swap3A_162, %swap3A_163] {strides = array<i32>} : memref<256x128xf32, #tpu.memory_space<vmem>>, vector<1x16xf32>,
        %swap3A_165 = vector.shape_cast %swap3A_164 : vector<1x16xf32> to vector<16xf32>
        %swap3A_166 = vector.shape_cast %mul3A_161 : vector<16xf32> to vector<1x16xf32>
        tpu.vector_store %arg7[%swap3A_162, %swap3A_163], %swap3A_166 {strides = array<i32>} : memref<256x128xf32, #tpu.memory_space<vmem>>, vector<1x16xf32>,
        %get3A_167 = arith.index_cast %add3A_154 : i32 to index
        %get3A_168 = arith.constant 16 : index
        %get3A_169 = tpu.vector_load %arg7[%get3A_167, %get3A_168] {strides = array<i32>} : memref<256x128xf32, #tpu.memory_space<vmem>>, vector<1x16xf32>,
        %get3A_170 = vector.shape_cast %get3A_169 : vector<1x16xf32> to vector<16xf32>
        %mul3A_171 = arith.constant 8.000000e+00 : f32
        %mul3A_172 = vector.broadcast %mul3A_171 : f32 to vector<16xf32>
        %mul3A_173 = arith.mulf %get3A_170, %mul3A_172 : vector<16xf32>
        %swap3A_174 = arith.index_cast %add3A_154 : i32 to index
        %swap3A_175 = arith.constant 16 : index
        %swap3A_176 = tpu.vector_load %arg7[%swap3A_174, %swap3A_175] {strides = array<i32>} : memref<256x128xf32, #tpu.memory_space<vmem>>, vector<1x16xf32>,
        %swap3A_177 = vector.shape_cast %swap3A_176 : vector<1x16xf32> to vector<16xf32>
        %swap3A_178 = vector.shape_cast %mul3A_173 : vector<16xf32> to vector<1x16xf32>
        tpu.vector_store %arg7[%swap3A_174, %swap3A_175], %swap3A_178 {strides = array<i32>} : memref<256x128xf32, #tpu.memory_space<vmem>>, vector<1x16xf32>,
        %get3A_179 = arith.index_cast %add3A_154 : i32 to index
        %get3A_180 = arith.constant 32 : index
        %get3A_181 = tpu.vector_load %arg7[%get3A_179, %get3A_180] {strides = array<i32>} : memref<256x128xf32, #tpu.memory_space<vmem>>, vector<1x16xf32>,
        %get3A_182 = vector.shape_cast %get3A_181 : vector<1x16xf32> to vector<16xf32>
        %mul3A_183 = arith.constant 8.000000e+00 : f32
        %mul3A_184 = vector.broadcast %mul3A_183 : f32 to vector<16xf32>
        %mul3A_185 = arith.mulf %get3A_182, %mul3A_184 : vector<16xf32>
        %swap3A_186 = arith.index_cast %add3A_154 : i32 to index
        %swap3A_187 = arith.constant 32 : index
        %swap3A_188 = tpu.vector_load %arg7[%swap3A_186, %swap3A_187] {strides = array<i32>} : memref<256x128xf32, #tpu.memory_space<vmem>>, vector<1x16xf32>,
        %swap3A_189 = vector.shape_cast %swap3A_188 : vector<1x16xf32> to vector<16xf32>
        %swap3A_190 = vector.shape_cast %mul3A_185 : vector<16xf32> to vector<1x16xf32>
        tpu.vector_store %arg7[%swap3A_186, %swap3A_187], %swap3A_190 {strides = array<i32>} : memref<256x128xf32, #tpu.memory_space<vmem>>, vector<1x16xf32>,
        %get3A_191 = arith.index_cast %add3A_154 : i32 to index
        %get3A_192 = arith.constant 48 : index
        %get3A_193 = tpu.vector_load %arg7[%get3A_191, %get3A_192] {strides = array<i32>} : memref<256x128xf32, #tpu.memory_space<vmem>>, vector<1x16xf32>,
        %get3A_194 = vector.shape_cast %get3A_193 : vector<1x16xf32> to vector<16xf32>
        %mul3A_195 = arith.constant 8.000000e+00 : f32
        %mul3A_196 = vector.broadcast %mul3A_195 : f32 to vector<16xf32>
        %mul3A_197 = arith.mulf %get3A_194, %mul3A_196 : vector<16xf32>
        %swap3A_198 = arith.index_cast %add3A_154 : i32 to index
        %swap3A_199 = arith.constant 48 : index
        %swap3A_200 = tpu.vector_load %arg7[%swap3A_198, %swap3A_199] {strides = array<i32>} : memref<256x128xf32, #tpu.memory_space<vmem>>, vector<1x16xf32>,
        %swap3A_201 = vector.shape_cast %swap3A_200 : vector<1x16xf32> to vector<16xf32>
        %swap3A_202 = vector.shape_cast %mul3A_197 : vector<16xf32> to vector<1x16xf32>
        tpu.vector_store %arg7[%swap3A_198, %swap3A_199], %swap3A_202 {strides = array<i32>} : memref<256x128xf32, #tpu.memory_space<vmem>>, vector<1x16xf32>,
        %scan3A_203 = arith.constant 2 : i32
        %scan3A_204 = arith.addi %scan3A_98, %scan3A_203 : i32
        %mul3A_205 = arith.constant 1 : i32
        %mul3A_206 = arith.muli %scan3A_204, %mul3A_205 : i32
        %add3A_207 = arith.constant 0 : i32
        %add3A_208 = arith.addi %add3A_207, %mul3A_206 : i32
        %get3A_209 = arith.index_cast %add3A_208 : i32 to index
        %get3A_210 = arith.constant 0 : index
        %get3A_211 = tpu.vector_load %arg7[%get3A_209, %get3A_210] {strides = array<i32>} : memref<256x128xf32, #tpu.memory_space<vmem>>, vector<1x16xf32>,
        %get3A_212 = vector.shape_cast %get3A_211 : vector<1x16xf32> to vector<16xf32>
        %mul3A_213 = arith.constant 8.000000e+00 : f32
        %mul3A_214 = vector.broadcast %mul3A_213 : f32 to vector<16xf32>
        %mul3A_215 = arith.mulf %get3A_212, %mul3A_214 : vector<16xf32>
        %swap3A_216 = arith.index_cast %add3A_208 : i32 to index
        %swap3A_217 = arith.constant 0 : index
        %swap3A_218 = tpu.vector_load %arg7[%swap3A_216, %swap3A_217] {strides = array<i32>} : memref<256x128xf32, #tpu.memory_space<vmem>>, vector<1x16xf32>,
        %swap3A_219 = vector.shape_cast %swap3A_218 : vector<1x16xf32> to vector<16xf32>
        %swap3A_220 = vector.shape_cast %mul3A_215 : vector<16xf32> to vector<1x16xf32>
        tpu.vector_store %arg7[%swap3A_216, %swap3A_217], %swap3A_220 {strides = array<i32>} : memref<256x128xf32, #tpu.memory_space<vmem>>, vector<1x16xf32>,
        %get3A_221 = arith.index_cast %add3A_208 : i32 to index
        %get3A_222 = arith.constant 16 : index
        %get3A_223 = tpu.vector_load %arg7[%get3A_221, %get3A_222] {strides = array<i32>} : memref<256x128xf32, #tpu.memory_space<vmem>>, vector<1x16xf32>,
        %get3A_224 = vector.shape_cast %get3A_223 : vector<1x16xf32> to vector<16xf32>
        %mul3A_225 = arith.constant 8.000000e+00 : f32
        %mul3A_226 = vector.broadcast %mul3A_225 : f32 to vector<16xf32>
        %mul3A_227 = arith.mulf %get3A_224, %mul3A_226 : vector<16xf32>
        %swap3A_228 = arith.index_cast %add3A_208 : i32 to index
        %swap3A_229 = arith.constant 16 : index
        %swap3A_230 = tpu.vector_load %arg7[%swap3A_228, %swap3A_229] {strides = array<i32>} : memref<256x128xf32, #tpu.memory_space<vmem>>, vector<1x16xf32>,
        %swap3A_231 = vector.shape_cast %swap3A_230 : vector<1x16xf32> to vector<16xf32>
        %swap3A_232 = vector.shape_cast %mul3A_227 : vector<16xf32> to vector<1x16xf32>
        tpu.vector_store %arg7[%swap3A_228, %swap3A_229], %swap3A_232 {strides = array<i32>} : memref<256x128xf32, #tpu.memory_space<vmem>>, vector<1x16xf32>,
        %get3A_233 = arith.index_cast %add3A_208 : i32 to index
        %get3A_234 = arith.constant 32 : index
        %get3A_235 = tpu.vector_load %arg7[%get3A_233, %get3A_234] {strides = array<i32>} : memref<256x128xf32, #tpu.memory_space<vmem>>, vector<1x16xf32>,
        %get3A_236 = vector.shape_cast %get3A_235 : vector<1x16xf32> to vector<16xf32>
        %mul3A_237 = arith.constant 8.000000e+00 : f32
        %mul3A_238 = vector.broadcast %mul3A_237 : f32 to vector<16xf32>
        %mul3A_239 = arith.mulf %get3A_236, %mul3A_238 : vector<16xf32>
        %swap3A_240 = arith.index_cast %add3A_208 : i32 to index
        %swap3A_241 = arith.constant 32 : index
        %swap3A_242 = tpu.vector_load %arg7[%swap3A_240, %swap3A_241] {strides = array<i32>} : memref<256x128xf32, #tpu.memory_space<vmem>>, vector<1x16xf32>,
        %swap3A_243 = vector.shape_cast %swap3A_242 : vector<1x16xf32> to vector<16xf32>
        %swap3A_244 = vector.shape_cast %mul3A_239 : vector<16xf32> to vector<1x16xf32>
        tpu.vector_store %arg7[%swap3A_240, %swap3A_241], %swap3A_244 {strides = array<i32>} : memref<256x128xf32, #tpu.memory_space<vmem>>, vector<1x16xf32>,
        %get3A_245 = arith.index_cast %add3A_208 : i32 to index
        %get3A_246 = arith.constant 48 : index
        %get3A_247 = tpu.vector_load %arg7[%get3A_245, %get3A_246] {strides = array<i32>} : memref<256x128xf32, #tpu.memory_space<vmem>>, vector<1x16xf32>,
        %get3A_248 = vector.shape_cast %get3A_247 : vector<1x16xf32> to vector<16xf32>
        %mul3A_249 = arith.constant 8.000000e+00 : f32
        %mul3A_250 = vector.broadcast %mul3A_249 : f32 to vector<16xf32>
        %mul3A_251 = arith.mulf %get3A_248, %mul3A_250 : vector<16xf32>
        %swap3A_252 = arith.index_cast %add3A_208 : i32 to index
        %swap3A_253 = arith.constant 48 : index
        %swap3A_254 = tpu.vector_load %arg7[%swap3A_252, %swap3A_253] {strides = array<i32>} : memref<256x128xf32, #tpu.memory_space<vmem>>, vector<1x16xf32>,
        %swap3A_255 = vector.shape_cast %swap3A_254 : vector<1x16xf32> to vector<16xf32>
        %swap3A_256 = vector.shape_cast %mul3A_251 : vector<16xf32> to vector<1x16xf32>
        tpu.vector_store %arg7[%swap3A_252, %swap3A_253], %swap3A_256 {strides = array<i32>} : memref<256x128xf32, #tpu.memory_space<vmem>>, vector<1x16xf32>,
        %scan3A_257 = arith.constant 3 : i32
        %scan3A_258 = arith.addi %scan3A_98, %scan3A_257 : i32
        %mul3A_259 = arith.constant 1 : i32
        %mul3A_260 = arith.muli %scan3A_258, %mul3A_259 : i32
        %add3A_261 = arith.constant 0 : i32
        %add3A_262 = arith.addi %add3A_261, %mul3A_260 : i32
        %get3A_263 = arith.index_cast %add3A_262 : i32 to index
        %get3A_264 = arith.constant 0 : index
        %get3A_265 = tpu.vector_load %arg7[%get3A_263, %get3A_264] {strides = array<i32>} : memref<256x128xf32, #tpu.memory_space<vmem>>, vector<1x16xf32>,
        %get3A_266 = vector.shape_cast %get3A_265 : vector<1x16xf32> to vector<16xf32>
        %mul3A_267 = arith.constant 8.000000e+00 : f32
        %mul3A_268 = vector.broadcast %mul3A_267 : f32 to vector<16xf32>
        %mul3A_269 = arith.mulf %get3A_266, %mul3A_268 : vector<16xf32>
        %swap3A_270 = arith.index_cast %add3A_262 : i32 to index
        %swap3A_271 = arith.constant 0 : index
        %swap3A_272 = tpu.vector_load %arg7[%swap3A_270, %swap3A_271] {strides = array<i32>} : memref<256x128xf32, #tpu.memory_space<vmem>>, vector<1x16xf32>,
        %swap3A_273 = vector.shape_cast %swap3A_272 : vector<1x16xf32> to vector<16xf32>
        %swap3A_274 = vector.shape_cast %mul3A_269 : vector<16xf32> to vector<1x16xf32>
        tpu.vector_store %arg7[%swap3A_270, %swap3A_271], %swap3A_274 {strides = array<i32>} : memref<256x128xf32, #tpu.memory_space<vmem>>, vector<1x16xf32>,
        %get3A_275 = arith.index_cast %add3A_262 : i32 to index
        %get3A_276 = arith.constant 16 : index
        %get3A_277 = tpu.vector_load %arg7[%get3A_275, %get3A_276] {strides = array<i32>} : memref<256x128xf32, #tpu.memory_space<vmem>>, vector<1x16xf32>,
        %get3A_278 = vector.shape_cast %get3A_277 : vector<1x16xf32> to vector<16xf32>
        %mul3A_279 = arith.constant 8.000000e+00 : f32
        %mul3A_280 = vector.broadcast %mul3A_279 : f32 to vector<16xf32>
        %mul3A_281 = arith.mulf %get3A_278, %mul3A_280 : vector<16xf32>
        %swap3A_282 = arith.index_cast %add3A_262 : i32 to index
        %swap3A_283 = arith.constant 16 : index
        %swap3A_284 = tpu.vector_load %arg7[%swap3A_282, %swap3A_283] {strides = array<i32>} : memref<256x128xf32, #tpu.memory_space<vmem>>, vector<1x16xf32>,
        %swap3A_285 = vector.shape_cast %swap3A_284 : vector<1x16xf32> to vector<16xf32>
        %swap3A_286 = vector.shape_cast %mul3A_281 : vector<16xf32> to vector<1x16xf32>
        tpu.vector_store %arg7[%swap3A_282, %swap3A_283], %swap3A_286 {strides = array<i32>} : memref<256x128xf32, #tpu.memory_space<vmem>>, vector<1x16xf32>,
        %get3A_287 = arith.index_cast %add3A_262 : i32 to index
        %get3A_288 = arith.constant 32 : index
        %get3A_289 = tpu.vector_load %arg7[%get3A_287, %get3A_288] {strides = array<i32>} : memref<256x128xf32, #tpu.memory_space<vmem>>, vector<1x16xf32>,
        %get3A_290 = vector.shape_cast %get3A_289 : vector<1x16xf32> to vector<16xf32>
        %mul3A_291 = arith.constant 8.000000e+00 : f32
        %mul3A_292 = vector.broadcast %mul3A_291 : f32 to vector<16xf32>
        %mul3A_293 = arith.mulf %get3A_290, %mul3A_292 : vector<16xf32>
        %swap3A_294 = arith.index_cast %add3A_262 : i32 to index
        %swap3A_295 = arith.constant 32 : index
        %swap3A_296 = tpu.vector_load %arg7[%swap3A_294, %swap3A_295] {strides = array<i32>} : memref<256x128xf32, #tpu.memory_space<vmem>>, vector<1x16xf32>,
        %swap3A_297 = vector.shape_cast %swap3A_296 : vector<1x16xf32> to vector<16xf32>
        %swap3A_298 = vector.shape_cast %mul3A_293 : vector<16xf32> to vector<1x16xf32>
        tpu.vector_store %arg7[%swap3A_294, %swap3A_295], %swap3A_298 {strides = array<i32>} : memref<256x128xf32, #tpu.memory_space<vmem>>, vector<1x16xf32>,
        %get3A_299 = arith.index_cast %add3A_262 : i32 to index
        %get3A_300 = arith.constant 48 : index
        %get3A_301 = tpu.vector_load %arg7[%get3A_299, %get3A_300] {strides = array<i32>} : memref<256x128xf32, #tpu.memory_space<vmem>>, vector<1x16xf32>,
        %get3A_302 = vector.shape_cast %get3A_301 : vector<1x16xf32> to vector<16xf32>
        %mul3A_303 = arith.constant 8.000000e+00 : f32
        %mul3A_304 = vector.broadcast %mul3A_303 : f32 to vector<16xf32>
        %mul3A_305 = arith.mulf %get3A_302, %mul3A_304 : vector<16xf32>
        %swap3A_306 = arith.index_cast %add3A_262 : i32 to index
        %swap3A_307 = arith.constant 48 : index
        %swap3A_308 = tpu.vector_load %arg7[%swap3A_306, %swap3A_307] {strides = array<i32>} : memref<256x128xf32, #tpu.memory_space<vmem>>, vector<1x16xf32>,
        %swap3A_309 = vector.shape_cast %swap3A_308 : vector<1x16xf32> to vector<16xf32>
        %swap3A_310 = vector.shape_cast %mul3A_305 : vector<16xf32> to vector<1x16xf32>
        tpu.vector_store %arg7[%swap3A_306, %swap3A_307], %swap3A_310 {strides = array<i32>} : memref<256x128xf32, #tpu.memory_space<vmem>>, vector<1x16xf32>,
        %scan3A_311 = arith.constant 4 : i32
        %scan3A_312 = arith.addi %scan3A_98, %scan3A_311 : i32
        %mul3A_313 = arith.constant 1 : i32
        %mul3A_314 = arith.muli %scan3A_312, %mul3A_313 : i32
        %add3A_315 = arith.constant 0 : i32
        %add3A_316 = arith.addi %add3A_315, %mul3A_314 : i32
        %get3A_317 = arith.index_cast %add3A_316 : i32 to index
        %get3A_318 = arith.constant 0 : index
        %get3A_319 = tpu.vector_load %arg7[%get3A_317, %get3A_318] {strides = array<i32>} : memref<256x128xf32, #tpu.memory_space<vmem>>, vector<1x16xf32>,
        %get3A_320 = vector.shape_cast %get3A_319 : vector<1x16xf32> to vector<16xf32>
        %mul3A_321 = arith.constant 8.000000e+00 : f32
        %mul3A_322 = vector.broadcast %mul3A_321 : f32 to vector<16xf32>
        %mul3A_323 = arith.mulf %get3A_320, %mul3A_322 : vector<16xf32>
        %swap3A_324 = arith.index_cast %add3A_316 : i32 to index
        %swap3A_325 = arith.constant 0 : index
        %swap3A_326 = tpu.vector_load %arg7[%swap3A_324, %swap3A_325] {strides = array<i32>} : memref<256x128xf32, #tpu.memory_space<vmem>>, vector<1x16xf32>,
        %swap3A_327 = vector.shape_cast %swap3A_326 : vector<1x16xf32> to vector<16xf32>
        %swap3A_328 = vector.shape_cast %mul3A_323 : vector<16xf32> to vector<1x16xf32>
        tpu.vector_store %arg7[%swap3A_324, %swap3A_325], %swap3A_328 {strides = array<i32>} : memref<256x128xf32, #tpu.memory_space<vmem>>, vector<1x16xf32>,
        %get3A_329 = arith.index_cast %add3A_316 : i32 to index
        %get3A_330 = arith.constant 16 : index
        %get3A_331 = tpu.vector_load %arg7[%get3A_329, %get3A_330] {strides = array<i32>} : memref<256x128xf32, #tpu.memory_space<vmem>>, vector<1x16xf32>,
        %get3A_332 = vector.shape_cast %get3A_331 : vector<1x16xf32> to vector<16xf32>
        %mul3A_333 = arith.constant 8.000000e+00 : f32
        %mul3A_334 = vector.broadcast %mul3A_333 : f32 to vector<16xf32>
        %mul3A_335 = arith.mulf %get3A_332, %mul3A_334 : vector<16xf32>
        %swap3A_336 = arith.index_cast %add3A_316 : i32 to index
        %swap3A_337 = arith.constant 16 : index
        %swap3A_338 = tpu.vector_load %arg7[%swap3A_336, %swap3A_337] {strides = array<i32>} : memref<256x128xf32, #tpu.memory_space<vmem>>, vector<1x16xf32>,
        %swap3A_339 = vector.shape_cast %swap3A_338 : vector<1x16xf32> to vector<16xf32>
        %swap3A_340 = vector.shape_cast %mul3A_335 : vector<16xf32> to vector<1x16xf32>
        tpu.vector_store %arg7[%swap3A_336, %swap3A_337], %swap3A_340 {strides = array<i32>} : memref<256x128xf32, #tpu.memory_space<vmem>>, vector<1x16xf32>,
        %get3A_341 = arith.index_cast %add3A_316 : i32 to index
        %get3A_342 = arith.constant 32 : index
        %get3A_343 = tpu.vector_load %arg7[%get3A_341, %get3A_342] {strides = array<i32>} : memref<256x128xf32, #tpu.memory_space<vmem>>, vector<1x16xf32>,
        %get3A_344 = vector.shape_cast %get3A_343 : vector<1x16xf32> to vector<16xf32>
        %mul3A_345 = arith.constant 8.000000e+00 : f32
        %mul3A_346 = vector.broadcast %mul3A_345 : f32 to vector<16xf32>
        %mul3A_347 = arith.mulf %get3A_344, %mul3A_346 : vector<16xf32>
        %swap3A_348 = arith.index_cast %add3A_316 : i32 to index
        %swap3A_349 = arith.constant 32 : index
        %swap3A_350 = tpu.vector_load %arg7[%swap3A_348, %swap3A_349] {strides = array<i32>} : memref<256x128xf32, #tpu.memory_space<vmem>>, vector<1x16xf32>,
        %swap3A_351 = vector.shape_cast %swap3A_350 : vector<1x16xf32> to vector<16xf32>
        %swap3A_352 = vector.shape_cast %mul3A_347 : vector<16xf32> to vector<1x16xf32>
        tpu.vector_store %arg7[%swap3A_348, %swap3A_349], %swap3A_352 {strides = array<i32>} : memref<256x128xf32, #tpu.memory_space<vmem>>, vector<1x16xf32>,
        %get3A_353 = arith.index_cast %add3A_316 : i32 to index
        %get3A_354 = arith.constant 48 : index
        %get3A_355 = tpu.vector_load %arg7[%get3A_353, %get3A_354] {strides = array<i32>} : memref<256x128xf32, #tpu.memory_space<vmem>>, vector<1x16xf32>,
        %get3A_356 = vector.shape_cast %get3A_355 : vector<1x16xf32> to vector<16xf32>
        %mul3A_357 = arith.constant 8.000000e+00 : f32
        %mul3A_358 = vector.broadcast %mul3A_357 : f32 to vector<16xf32>
        %mul3A_359 = arith.mulf %get3A_356, %mul3A_358 : vector<16xf32>
        %swap3A_360 = arith.index_cast %add3A_316 : i32 to index
        %swap3A_361 = arith.constant 48 : index
        %swap3A_362 = tpu.vector_load %arg7[%swap3A_360, %swap3A_361] {strides = array<i32>} : memref<256x128xf32, #tpu.memory_space<vmem>>, vector<1x16xf32>,
        %swap3A_363 = vector.shape_cast %swap3A_362 : vector<1x16xf32> to vector<16xf32>
        %swap3A_364 = vector.shape_cast %mul3A_359 : vector<16xf32> to vector<1x16xf32>
        tpu.vector_store %arg7[%swap3A_360, %swap3A_361], %swap3A_364 {strides = array<i32>} : memref<256x128xf32, #tpu.memory_space<vmem>>, vector<1x16xf32>,
        %scan3A_365 = arith.constant 5 : i32
        %scan3A_366 = arith.addi %scan3A_98, %scan3A_365 : i32
        %mul3A_367 = arith.constant 1 : i32
        %mul3A_368 = arith.muli %scan3A_366, %mul3A_367 : i32
        %add3A_369 = arith.constant 0 : i32
        %add3A_370 = arith.addi %add3A_369, %mul3A_368 : i32
        %get3A_371 = arith.index_cast %add3A_370 : i32 to index
        %get3A_372 = arith.constant 0 : index
        %get3A_373 = tpu.vector_load %arg7[%get3A_371, %get3A_372] {strides = array<i32>} : memref<256x128xf32, #tpu.memory_space<vmem>>, vector<1x16xf32>,
        %get3A_374 = vector.shape_cast %get3A_373 : vector<1x16xf32> to vector<16xf32>
        %mul3A_375 = arith.constant 8.000000e+00 : f32
        %mul3A_376 = vector.broadcast %mul3A_375 : f32 to vector<16xf32>
        %mul3A_377 = arith.mulf %get3A_374, %mul3A_376 : vector<16xf32>
        %swap3A_378 = arith.index_cast %add3A_370 : i32 to index
        %swap3A_379 = arith.constant 0 : index
        %swap3A_380 = tpu.vector_load %arg7[%swap3A_378, %swap3A_379] {strides = array<i32>} : memref<256x128xf32, #tpu.memory_space<vmem>>, vector<1x16xf32>,
        %swap3A_381 = vector.shape_cast %swap3A_380 : vector<1x16xf32> to vector<16xf32>
        %swap3A_382 = vector.shape_cast %mul3A_377 : vector<16xf32> to vector<1x16xf32>
        tpu.vector_store %arg7[%swap3A_378, %swap3A_379], %swap3A_382 {strides = array<i32>} : memref<256x128xf32, #tpu.memory_space<vmem>>, vector<1x16xf32>,
        %get3A_383 = arith.index_cast %add3A_370 : i32 to index
        %get3A_384 = arith.constant 16 : index
        %get3A_385 = tpu.vector_load %arg7[%get3A_383, %get3A_384] {strides = array<i32>} : memref<256x128xf32, #tpu.memory_space<vmem>>, vector<1x16xf32>,
        %get3A_386 = vector.shape_cast %get3A_385 : vector<1x16xf32> to vector<16xf32>
        %mul3A_387 = arith.constant 8.000000e+00 : f32
        %mul3A_388 = vector.broadcast %mul3A_387 : f32 to vector<16xf32>
        %mul3A_389 = arith.mulf %get3A_386, %mul3A_388 : vector<16xf32>
        %swap3A_390 = arith.index_cast %add3A_370 : i32 to index
        %swap3A_391 = arith.constant 16 : index
        %swap3A_392 = tpu.vector_load %arg7[%swap3A_390, %swap3A_391] {strides = array<i32>} : memref<256x128xf32, #tpu.memory_space<vmem>>, vector<1x16xf32>,
        %swap3A_393 = vector.shape_cast %swap3A_392 : vector<1x16xf32> to vector<16xf32>
        %swap3A_394 = vector.shape_cast %mul3A_389 : vector<16xf32> to vector<1x16xf32>
        tpu.vector_store %arg7[%swap3A_390, %swap3A_391], %swap3A_394 {strides = array<i32>} : memref<256x128xf32, #tpu.memory_space<vmem>>, vector<1x16xf32>,
        %get3A_395 = arith.index_cast %add3A_370 : i32 to index
        %get3A_396 = arith.constant 32 : index
        %get3A_397 = tpu.vector_load %arg7[%get3A_395, %get3A_396] {strides = array<i32>} : memref<256x128xf32, #tpu.memory_space<vmem>>, vector<1x16xf32>,
        %get3A_398 = vector.shape_cast %get3A_397 : vector<1x16xf32> to vector<16xf32>
        %mul3A_399 = arith.constant 8.000000e+00 : f32
        %mul3A_400 = vector.broadcast %mul3A_399 : f32 to vector<16xf32>
        %mul3A_401 = arith.mulf %get3A_398, %mul3A_400 : vector<16xf32>
        %swap3A_402 = arith.index_cast %add3A_370 : i32 to index
        %swap3A_403 = arith.constant 32 : index
        %swap3A_404 = tpu.vector_load %arg7[%swap3A_402, %swap3A_403] {strides = array<i32>} : memref<256x128xf32, #tpu.memory_space<vmem>>, vector<1x16xf32>,
        %swap3A_405 = vector.shape_cast %swap3A_404 : vector<1x16xf32> to vector<16xf32>
        %swap3A_406 = vector.shape_cast %mul3A_401 : vector<16xf32> to vector<1x16xf32>
        tpu.vector_store %arg7[%swap3A_402, %swap3A_403], %swap3A_406 {strides = array<i32>} : memref<256x128xf32, #tpu.memory_space<vmem>>, vector<1x16xf32>,
        %get3A_407 = arith.index_cast %add3A_370 : i32 to index
        %get3A_408 = arith.constant 48 : index
        %get3A_409 = tpu.vector_load %arg7[%get3A_407, %get3A_408] {strides = array<i32>} : memref<256x128xf32, #tpu.memory_space<vmem>>, vector<1x16xf32>,
        %get3A_410 = vector.shape_cast %get3A_409 : vector<1x16xf32> to vector<16xf32>
        %mul3A_411 = arith.constant 8.000000e+00 : f32
        %mul3A_412 = vector.broadcast %mul3A_411 : f32 to vector<16xf32>
        %mul3A_413 = arith.mulf %get3A_410, %mul3A_412 : vector<16xf32>
        %swap3A_414 = arith.index_cast %add3A_370 : i32 to index
        %swap3A_415 = arith.constant 48 : index
        %swap3A_416 = tpu.vector_load %arg7[%swap3A_414, %swap3A_415] {strides = array<i32>} : memref<256x128xf32, #tpu.memory_space<vmem>>, vector<1x16xf32>,
        %swap3A_417 = vector.shape_cast %swap3A_416 : vector<1x16xf32> to vector<16xf32>
        %swap3A_418 = vector.shape_cast %mul3A_413 : vector<16xf32> to vector<1x16xf32>
        tpu.vector_store %arg7[%swap3A_414, %swap3A_415], %swap3A_418 {strides = array<i32>} : memref<256x128xf32, #tpu.memory_space<vmem>>, vector<1x16xf32>,
        %scan3A_419 = arith.constant 6 : i32
        %scan3A_420 = arith.addi %scan3A_98, %scan3A_419 : i32
        %mul3A_421 = arith.constant 1 : i32
        %mul3A_422 = arith.muli %scan3A_420, %mul3A_421 : i32
        %add3A_423 = arith.constant 0 : i32
        %add3A_424 = arith.addi %add3A_423, %mul3A_422 : i32
        %get3A_425 = arith.index_cast %add3A_424 : i32 to index
        %get3A_426 = arith.constant 0 : index
        %get3A_427 = tpu.vector_load %arg7[%get3A_425, %get3A_426] {strides = array<i32>} : memref<256x128xf32, #tpu.memory_space<vmem>>, vector<1x16xf32>,
        %get3A_428 = vector.shape_cast %get3A_427 : vector<1x16xf32> to vector<16xf32>
        %mul3A_429 = arith.constant 8.000000e+00 : f32
        %mul3A_430 = vector.broadcast %mul3A_429 : f32 to vector<16xf32>
        %mul3A_431 = arith.mulf %get3A_428, %mul3A_430 : vector<16xf32>
        %swap3A_432 = arith.index_cast %add3A_424 : i32 to index
        %swap3A_433 = arith.constant 0 : index
        %swap3A_434 = tpu.vector_load %arg7[%swap3A_432, %swap3A_433] {strides = array<i32>} : memref<256x128xf32, #tpu.memory_space<vmem>>, vector<1x16xf32>,
        %swap3A_435 = vector.shape_cast %swap3A_434 : vector<1x16xf32> to vector<16xf32>
        %swap3A_436 = vector.shape_cast %mul3A_431 : vector<16xf32> to vector<1x16xf32>
        tpu.vector_store %arg7[%swap3A_432, %swap3A_433], %swap3A_436 {strides = array<i32>} : memref<256x128xf32, #tpu.memory_space<vmem>>, vector<1x16xf32>,
        %get3A_437 = arith.index_cast %add3A_424 : i32 to index
        %get3A_438 = arith.constant 16 : index
        %get3A_439 = tpu.vector_load %arg7[%get3A_437, %get3A_438] {strides = array<i32>} : memref<256x128xf32, #tpu.memory_space<vmem>>, vector<1x16xf32>,
        %get3A_440 = vector.shape_cast %get3A_439 : vector<1x16xf32> to vector<16xf32>
        %mul3A_441 = arith.constant 8.000000e+00 : f32
        %mul3A_442 = vector.broadcast %mul3A_441 : f32 to vector<16xf32>
        %mul3A_443 = arith.mulf %get3A_440, %mul3A_442 : vector<16xf32>
        %swap3A_444 = arith.index_cast %add3A_424 : i32 to index
        %swap3A_445 = arith.constant 16 : index
        %swap3A_446 = tpu.vector_load %arg7[%swap3A_444, %swap3A_445] {strides = array<i32>} : memref<256x128xf32, #tpu.memory_space<vmem>>, vector<1x16xf32>,
        %swap3A_447 = vector.shape_cast %swap3A_446 : vector<1x16xf32> to vector<16xf32>
        %swap3A_448 = vector.shape_cast %mul3A_443 : vector<16xf32> to vector<1x16xf32>
        tpu.vector_store %arg7[%swap3A_444, %swap3A_445], %swap3A_448 {strides = array<i32>} : memref<256x128xf32, #tpu.memory_space<vmem>>, vector<1x16xf32>,
        %get3A_449 = arith.index_cast %add3A_424 : i32 to index
        %get3A_450 = arith.constant 32 : index
        %get3A_451 = tpu.vector_load %arg7[%get3A_449, %get3A_450] {strides = array<i32>} : memref<256x128xf32, #tpu.memory_space<vmem>>, vector<1x16xf32>,
        %get3A_452 = vector.shape_cast %get3A_451 : vector<1x16xf32> to vector<16xf32>
        %mul3A_453 = arith.constant 8.000000e+00 : f32
        %mul3A_454 = vector.broadcast %mul3A_453 : f32 to vector<16xf32>
        %mul3A_455 = arith.mulf %get3A_452, %mul3A_454 : vector<16xf32>
        %swap3A_456 = arith.index_cast %add3A_424 : i32 to index
        %swap3A_457 = arith.constant 32 : index
        %swap3A_458 = tpu.vector_load %arg7[%swap3A_456, %swap3A_457] {strides = array<i32>} : memref<256x128xf32, #tpu.memory_space<vmem>>, vector<1x16xf32>,
        %swap3A_459 = vector.shape_cast %swap3A_458 : vector<1x16xf32> to vector<16xf32>
        %swap3A_460 = vector.shape_cast %mul3A_455 : vector<16xf32> to vector<1x16xf32>
        tpu.vector_store %arg7[%swap3A_456, %swap3A_457], %swap3A_460 {strides = array<i32>} : memref<256x128xf32, #tpu.memory_space<vmem>>, vector<1x16xf32>,
        %get3A_461 = arith.index_cast %add3A_424 : i32 to index
        %get3A_462 = arith.constant 48 : index
        %get3A_463 = tpu.vector_load %arg7[%get3A_461, %get3A_462] {strides = array<i32>} : memref<256x128xf32, #tpu.memory_space<vmem>>, vector<1x16xf32>,
        %get3A_464 = vector.shape_cast %get3A_463 : vector<1x16xf32> to vector<16xf32>
        %mul3A_465 = arith.constant 8.000000e+00 : f32
        %mul3A_466 = vector.broadcast %mul3A_465 : f32 to vector<16xf32>
        %mul3A_467 = arith.mulf %get3A_464, %mul3A_466 : vector<16xf32>
        %swap3A_468 = arith.index_cast %add3A_424 : i32 to index
        %swap3A_469 = arith.constant 48 : index
        %swap3A_470 = tpu.vector_load %arg7[%swap3A_468, %swap3A_469] {strides = array<i32>} : memref<256x128xf32, #tpu.memory_space<vmem>>, vector<1x16xf32>,
        %swap3A_471 = vector.shape_cast %swap3A_470 : vector<1x16xf32> to vector<16xf32>
        %swap3A_472 = vector.shape_cast %mul3A_467 : vector<16xf32> to vector<1x16xf32>
        tpu.vector_store %arg7[%swap3A_468, %swap3A_469], %swap3A_472 {strides = array<i32>} : memref<256x128xf32, #tpu.memory_space<vmem>>, vector<1x16xf32>,
        %scan3A_473 = arith.constant 7 : i32
        %scan3A_474 = arith.addi %scan3A_98, %scan3A_473 : i32
        %mul3A_475 = arith.constant 1 : i32
        %mul3A_476 = arith.muli %scan3A_474, %mul3A_475 : i32
        %add3A_477 = arith.constant 0 : i32
        %add3A_478 = arith.addi %add3A_477, %mul3A_476 : i32
        %get3A_479 = arith.index_cast %add3A_478 : i32 to index
        %get3A_480 = arith.constant 0 : index
        %get3A_481 = tpu.vector_load %arg7[%get3A_479, %get3A_480] {strides = array<i32>} : memref<256x128xf32, #tpu.memory_space<vmem>>, vector<1x16xf32>,
        %get3A_482 = vector.shape_cast %get3A_481 : vector<1x16xf32> to vector<16xf32>
        %mul3A_483 = arith.constant 8.000000e+00 : f32
        %mul3A_484 = vector.broadcast %mul3A_483 : f32 to vector<16xf32>
        %mul3A_485 = arith.mulf %get3A_482, %mul3A_484 : vector<16xf32>
        %swap3A_486 = arith.index_cast %add3A_478 : i32 to index
        %swap3A_487 = arith.constant 0 : index
        %swap3A_488 = tpu.vector_load %arg7[%swap3A_486, %swap3A_487] {strides = array<i32>} : memref<256x128xf32, #tpu.memory_space<vmem>>, vector<1x16xf32>,
        %swap3A_489 = vector.shape_cast %swap3A_488 : vector<1x16xf32> to vector<16xf32>
        %swap3A_490 = vector.shape_cast %mul3A_485 : vector<16xf32> to vector<1x16xf32>
        tpu.vector_store %arg7[%swap3A_486, %swap3A_487], %swap3A_490 {strides = array<i32>} : memref<256x128xf32, #tpu.memory_space<vmem>>, vector<1x16xf32>,
        %get3A_491 = arith.index_cast %add3A_478 : i32 to index
        %get3A_492 = arith.constant 16 : index
        %get3A_493 = tpu.vector_load %arg7[%get3A_491, %get3A_492] {strides = array<i32>} : memref<256x128xf32, #tpu.memory_space<vmem>>, vector<1x16xf32>,
        %get3A_494 = vector.shape_cast %get3A_493 : vector<1x16xf32> to vector<16xf32>
        %mul3A_495 = arith.constant 8.000000e+00 : f32
        %mul3A_496 = vector.broadcast %mul3A_495 : f32 to vector<16xf32>
        %mul3A_497 = arith.mulf %get3A_494, %mul3A_496 : vector<16xf32>
        %swap3A_498 = arith.index_cast %add3A_478 : i32 to index
        %swap3A_499 = arith.constant 16 : index
        %swap3A_500 = tpu.vector_load %arg7[%swap3A_498, %swap3A_499] {strides = array<i32>} : memref<256x128xf32, #tpu.memory_space<vmem>>, vector<1x16xf32>,
        %swap3A_501 = vector.shape_cast %swap3A_500 : vector<1x16xf32> to vector<16xf32>
        %swap3A_502 = vector.shape_cast %mul3A_497 : vector<16xf32> to vector<1x16xf32>
        tpu.vector_store %arg7[%swap3A_498, %swap3A_499], %swap3A_502 {strides = array<i32>} : memref<256x128xf32, #tpu.memory_space<vmem>>, vector<1x16xf32>,
        %get3A_503 = arith.index_cast %add3A_478 : i32 to index
        %get3A_504 = arith.constant 32 : index
        %get3A_505 = tpu.vector_load %arg7[%get3A_503, %get3A_504] {strides = array<i32>} : memref<256x128xf32, #tpu.memory_space<vmem>>, vector<1x16xf32>,
        %get3A_506 = vector.shape_cast %get3A_505 : vector<1x16xf32> to vector<16xf32>
        %mul3A_507 = arith.constant 8.000000e+00 : f32
        %mul3A_508 = vector.broadcast %mul3A_507 : f32 to vector<16xf32>
        %mul3A_509 = arith.mulf %get3A_506, %mul3A_508 : vector<16xf32>
        %swap3A_510 = arith.index_cast %add3A_478 : i32 to index
        %swap3A_511 = arith.constant 32 : index
        %swap3A_512 = tpu.vector_load %arg7[%swap3A_510, %swap3A_511] {strides = array<i32>} : memref<256x128xf32, #tpu.memory_space<vmem>>, vector<1x16xf32>,
        %swap3A_513 = vector.shape_cast %swap3A_512 : vector<1x16xf32> to vector<16xf32>
        %swap3A_514 = vector.shape_cast %mul3A_509 : vector<16xf32> to vector<1x16xf32>
        tpu.vector_store %arg7[%swap3A_510, %swap3A_511], %swap3A_514 {strides = array<i32>} : memref<256x128xf32, #tpu.memory_space<vmem>>, vector<1x16xf32>,
        %get3A_515 = arith.index_cast %add3A_478 : i32 to index
        %get3A_516 = arith.constant 48 : index
        %get3A_517 = tpu.vector_load %arg7[%get3A_515, %get3A_516] {strides = array<i32>} : memref<256x128xf32, #tpu.memory_space<vmem>>, vector<1x16xf32>,
        %get3A_518 = vector.shape_cast %get3A_517 : vector<1x16xf32> to vector<16xf32>
        %mul3A_519 = arith.constant 8.000000e+00 : f32
        %mul3A_520 = vector.broadcast %mul3A_519 : f32 to vector<16xf32>
        %mul3A_521 = arith.mulf %get3A_518, %mul3A_520 : vector<16xf32>
        %swap3A_522 = arith.index_cast %add3A_478 : i32 to index
        %swap3A_523 = arith.constant 48 : index
        %swap3A_524 = tpu.vector_load %arg7[%swap3A_522, %swap3A_523] {strides = array<i32>} : memref<256x128xf32, #tpu.memory_space<vmem>>, vector<1x16xf32>,
        %swap3A_525 = vector.shape_cast %swap3A_524 : vector<1x16xf32> to vector<16xf32>
        %swap3A_526 = vector.shape_cast %mul3A_521 : vector<16xf32> to vector<1x16xf32>
        tpu.vector_store %arg7[%swap3A_522, %swap3A_523], %swap3A_526 {strides = array<i32>} : memref<256x128xf32, #tpu.memory_space<vmem>>, vector<1x16xf32>,
      }
      %scan3A_90 = arith.constant 256 : i32
      %mul3A_91 = arith.constant 256 : i32
      %mul3A_92 = arith.muli %add3A_67, %mul3A_91 : i32
      %add3A_93 = arith.addi %mul3A_4, %mul3A_92 : i32
      %dma_start3A_94 = arith.constant 0 : i32
      %dma_start3A_95 = tpu.memref_slice %arg4[%add3A_93, %dma_start3A_94] : memref<819200x128xf32, #tpu.memory_space<hbm>> -> memref<256x128xf32, #tpu.memory_space<hbm>>
      %dma_start3A_96 = arith.constant 0 : i32
      %dma_start3A_97 = tpu.memref_slice %arg4[%add3A_93, %dma_start3A_96] : memref<819200x128xf32, #tpu.memory_space<hbm>> -> memref<256x128xf32, #tpu.memory_space<hbm>>
      tpu.enqueue_dma source(%arg7 : memref<256x128xf32, #tpu.memory_space<vmem>>) target(%dma_start3A_97 : memref<256x128xf32, #tpu.memory_space<hbm>>) target_semaphore(%arg11 : memref<!tpu.dma_semaphore, #tpu.memory_space<semaphore_mem>>)
    }
    %scan3A_27 = arith.constant 50 : i32
    %dma_wait3A = arith.constant 0 : i32
    %dma_wait3A_28 = arith.constant 0 : i32
    %dma_wait3A_29 = tpu.memref_slice %arg4[%dma_wait3A, %dma_wait3A_28] : memref<819200x128xf32, #tpu.memory_space<hbm>> -> memref<256x128xf32, #tpu.memory_space<hbm>>
    %dma_wait3A_30 = arith.constant 0 : i32
    %dma_wait3A_31 = arith.constant 0 : i32
    %dma_wait3A_32 = tpu.memref_slice %arg4[%dma_wait3A_30, %dma_wait3A_31] : memref<819200x128xf32, #tpu.memory_space<hbm>> -> memref<256x128xf32, #tpu.memory_space<hbm>>
    tpu.wait_dma2 semaphore(%arg11 : memref<!tpu.dma_semaphore, #tpu.memory_space<semaphore_mem>>) src(%arg7 : memref<256x128xf32, #tpu.memory_space<vmem>>) dst(%dma_wait3A_32 : memref<256x128xf32, #tpu.memory_space<hbm>>)
    return
  }
}

</mosaic_0001>

<sc_bundles>
// kernel: kernel.3.cloned.1.call-start
scs
__scs_entry_jumppad:
0x0: {  	(pc) =	sbr.rel $0x88, $3  }
0x1: {  	(tag) =	ssettag $0x0;
	lr =	simm.s32 $0x1  }
0x2: {  	[smem:$0x3F9F] =	sst lr;
	_ =	strace $0xD0000000  }
0x3: {  	_ = 	snop  }
0x4: {  	_ = 	snop  }
0x5: {  	_ = 	snop  }
0x6: {  	_ = 	snop  }
0x7: {  	_ = 	snop  }
__scs_overlays_trampoline_lowered:
0x8: {  	[smem:$0x3FAE] =	sst s0  }
0x9: {  	[smem:$0x3FAF] =	sst s1  }
0xa: {  	[smem:$0x3FB0] =	sst s2  }
0xb: {  	[smem:$0x3FB1] =	sst s3  }
0xc: {  	[smem:$0x3FB2] =	sst s4  }
0xd: {  	[smem:$0x3FB3] =	sst s5  }
0xe: {  	[smem:$0x3FB4] =	sst s6  }
0xf: {  	[smem:$0x3FB5] =	sst s7  }
0x10: {  	[smem:$0x3FB6] =	sst s8  }
0x11: {  	[smem:$0x3FB7] =	sst s9;
	s0 =	simm.s32 @!p0 $0x0  }
0x12: {  	s1 =	sld [smem:$0x3F9D];
	s0 =	simm.s32 @p0 $0x1  }
0x13: {  	[smem:$0x3FB8] =	sst s0;
	s0 =	simm.s32 @!p1 $0x0  }
0x14: {  	s2 =	sld [smem:$0x3F9C];
	s0 =	simm.s32 @p1 $0x1  }
0x15: {  	[smem:$0x3FB9] =	sst s0;
	s0 =	simm.s32 @!p2 $0x0  }
0x16: {  	s3 =	sld [smem:$0x3FDB];
	s0 =	simm.s32 @p2 $0x1  }
0x17: {  	s4 =	simm.s32 $0x1BF5;
	[smem:$0x3FBB] =	sst s0  }
0x18: {  	s0 =	sld [smem:$0x3F9E];
	_ =	swait.ge [sflag:s4], $0x0  }
0x19: {  	s7 =	sld [smem:$0x3F9F]  }
0x1a: {  	s8 =	sadd.s32 $0xFFFFE003, lr  }
0x1b: {  	s9 =	sadd.s32 $0xFFFFFEF7, lr;
	s5 =	simm.s32 $0xFFFFFFFF;
	p2 =	slt.u32 s8, $0xFFFFF086  }
0x1c: {  	p1 =	slt.u32 s9, $0xF7A;
	s5 =	simm.s32 @!p2 $0x0  }
0x1d: {  	s5 =	simm.s32 @p1 $0x1;
	p0 =	seq.s32 s7, s2  }
0x1e: {  	s7 =	smul.u32 @!p0 $0xF7A, s2;
	p2 =	seq.s32 @!p0 s5, $0x0  }
0x1f: {  	s9 =	smul.u32 $0xF7A, s1;
	s8 =	simm.s32 @!p0 $0x1BF5;
	p2 =	por !p2, p0  }
0x20: {  	[sflag:s8] =	ssyncset.s32 @!p0 $0xFFFFF086;
	s6 =	sadd.s32 @!p0 s3, s7;
	s7 =	simm.s32 @!p0 $0x108  }
0x21: {  	s3 =	sadd.s32 s3, s9;
	s6 =	sadd.s32 @!p0 $0x88, s6;
	s7 =	simm.s32 @p2 $0x1082  }
0x22: {  	[simem:s7], [sflag:s8] =	dma.local @!p0 [hbm:s6], $0xF7A  }
0x23: {  	s9 =	sor.u32 $0xD0000000, s2;
	s6 =	simm.s32 $0x108;
	_ =	swait.ge @!p0 [sflag:s8], $0x0  }
0x24: {  	s3 =	sadd.s32 $0x88, s3;
	s6 =	simm.s32 @!p1 $0x1082;
	[sflag:s4] =	ssyncset.s32 $0xFFFFF086  }
0x25: {  	[simem:s6], [sflag:s4] =	dma.local [hbm:s3], $0xF7A  }
0x26: {  	[smem:$0x3F9F] =	sst s1;
	(tag) =	ssettag s2;
	_ =	strace s9  }
0x27: {  	s1 =	sld [smem:$0x3FAF]  }
0x28: {  	s2 =	sld [smem:$0x3FB0]  }
0x29: {  	s4 =	sld [smem:$0x3FB2]  }
0x2a: {  	p0 =	seq.s32 s5, $0x0;
	s5 =	sld [smem:$0x3FB3]  }
0x2b: {  	s6 =	sld [smem:$0x3FB4]  }
0x2c: {  	s7 =	sld [smem:$0x3FB5]  }
0x2d: {  	s3 =	simm.s32 $0x108;
	s8 =	sld [smem:$0x3FB6]  }
0x2e: {  	s3 =	simm.s32 @!p0 $0x1082;
	s9 =	sld [smem:$0x3FB7]  }
0x2f: {  	lr =	sadd.s32 s0, s3;
	s0 =	sld [smem:$0x3FAE]  }
0x30: {  	s3 =	sld [smem:$0x3FB1]  }
0x31: {  	[smem:$0x3FBA] =	sst s10  }
0x32: {  	s10 =	sld [smem:$0x3FB8];
	_ =	sdelay $0x3  }
0x33: {  	p0 =	seq.s32 s10, $0x1;
	s10 =	sld [smem:$0x3FBA];
	_ =	sdelay $0x3  }
0x34: {  	[smem:$0x3FBA] =	sst s10  }
0x35: {  	s10 =	sld [smem:$0x3FB9];
	_ =	sdelay $0x3  }
0x36: {  	p1 =	seq.s32 s10, $0x1;
	s10 =	sld [smem:$0x3FBA];
	_ =	sdelay $0x3  }
0x37: {  	[smem:$0x3FBA] =	sst s10  }
0x38: {  	s10 =	sld [smem:$0x3FBB]  }
0x39: {  	_ = 	snop;
	(pc) =	sbr.ind lr, $3  }
0x3a: {  	_ = 	snop  }
0x3b: {  	_ = 	snop  }
0x3c: {  	p2 =	seq.s32 s10, $0x1;
	s10 =	sld [smem:$0x3FBA]  }
0x3d: {  	_ =	shalt  }
0x3e: {  	_ =	shalt  }
0x3f: {  	_ =	shalt  }
0x40: {  	_ =	shalt  }
0x41: {  	_ =	shalt  }
0x42: {  	_ =	shalt  }
0x43: {  	_ =	shalt  }
0x44: {  	_ =	shalt  }
0x45: {  	_ =	shalt  }
0x46: {  	_ =	shalt  }
0x47: {  	_ =	shalt  }
0x48: {  	_ =	shalt  }
0x49: {  	_ =	shalt  }
0x4a: {  	_ =	shalt  }
0x4b: {  	_ =	shalt  }
0x4c: {  	_ =	shalt  }
0x4d: {  	_ =	shalt  }
0x4e: {  	_ =	shalt  }
0x4f: {  	_ =	shalt  }
0x50: {  	_ =	shalt  }
0x51: {  	_ =	shalt  }
0x52: {  	_ =	shalt  }
0x53: {  	_ =	shalt  }
0x54: {  	_ =	shalt  }
0x55: {  	_ =	shalt  }
0x56: {  	_ =	shalt  }
0x57: {  	_ =	shalt  }
0x58: {  	_ =	shalt  }
0x59: {  	_ =	shalt  }
0x5a: {  	_ =	shalt  }
0x5b: {  	_ =	shalt  }
0x5c: {  	_ =	shalt  }
0x5d: {  	_ =	shalt  }
0x5e: {  	_ =	shalt  }
0x5f: {  	_ =	shalt  }
0x60: {  	_ =	shalt  }
0x61: {  	_ =	shalt  }
0x62: {  	_ =	shalt  }
0x63: {  	_ =	shalt  }
0x64: {  	_ =	shalt  }
0x65: {  	_ =	shalt  }
0x66: {  	_ =	shalt  }
0x67: {  	_ =	shalt  }
0x68: {  	_ =	shalt  }
0x69: {  	_ =	shalt  }
0x6a: {  	_ =	shalt  }
0x6b: {  	_ =	shalt  }
0x6c: {  	_ =	shalt  }
0x6d: {  	_ =	shalt  }
0x6e: {  	_ =	shalt  }
0x6f: {  	_ =	shalt  }
0x70: {  	_ =	shalt  }
0x71: {  	_ =	shalt  }
0x72: {  	_ =	shalt  }
0x73: {  	_ =	shalt  }
0x74: {  	_ =	shalt  }
0x75: {  	_ =	shalt  }
0x76: {  	_ =	shalt  }
0x77: {  	_ =	shalt  }
0x78: {  	_ =	shalt  }
0x79: {  	_ =	shalt  }
0x7a: {  	_ =	shalt  }
0x7b: {  	_ =	shalt  }
0x7c: {  	_ =	shalt  }
0x7d: {  	_ =	shalt  }
0x7e: {  	_ =	shalt  }
0x7f: {  	_ =	shalt  }
0x80: {  	_ =	shalt  }
0x81: {  	_ =	shalt  }
0x82: {  	_ =	shalt  }
0x83: {  	_ =	shalt  }
0x84: {  	_ =	shalt  }
0x85: {  	_ =	shalt  }
0x86: {  	_ =	shalt  }
0x87: {  	_ =	shalt  }
.Lfunc_end0:
.L_simem_size_0:
called_computation.1_lowered:
.L_overlay_start_0:
0x88: {  	s2 =	sld [smem:$0x3FD9]  }
0x89: {  	s3 =	sld [smem:$0x3FFE];
	_ =	sdelay $0x1  }
0x8a: {  	s1 =	srdreg.scid  }
0x8b: {  	s0 =	sand.u32 $0x1, s1  }
0x8c: {  	s17 =	sshll.u32 s0, $0xA;
	s2 =	sadd.s32 s3, s2  }
0x8d: {  	s2 =	sadd.s32 s2, s17  }
0x8e: {  	[smem:$0x3FC6] =	sst s2  }
0x8f: {  	_ = 	snop  }
0x90: {  	s2 =	sld [smem:$0x3FD0];
	(tm) =	ssettm $0x1  }
0x91: {  	s18 =	sld [smem:$0x3FFB];
	_ =	sdelay $0x3  }
0x92: {  	_ =	strace s18  }
0x93: {  	s3 =	sld [smem:$0x3FFC];
	_ =	sdelay $0x3  }
0x94: {  	_ =	strace s3  }
0x95: {  	s3 =	sld [smem:$0x3FFD];
	_ =	sdelay $0x3  }
0x96: {  	_ =	strace s3  }
0x97: {  	_ =	strace $0x8FFFFFFF  }
0x98: {  	s19 =	sld [smem:$0x3FDB];
	_ =	sdelay $0x1  }
0x99: {  	s4 =	simm.s32 $_scs_section_size  }
0x9a: {  	s5 =	simm.s32 $_size__tile_overlayer_lowered;
	s6 =	simm.s32 $_tile_overlayer_lowered  }
0x9b: {  	s22 =	simm.s32 $0x1BFF;
	s21 =	sshll.u32 s6, $0x1;
	s3 =	sadd.s32 s4, s19  }
0x9c: {  	s7 =	simm.s32 $0x0;
	s20 =	sshll.u32 s5, $0x1;
	s5 =	sadd.s32 s21, s3  }
0x9d: {  	[timem:s7], [sflag:s22] =	dma.local [hbm:s5], s20  }
0x9e: {  	_ =	swait.ge [sflag:s22], s20  }
0x9f: {  	s4 =	ssub.s32 $0x0, s20;
	[sflag:s22] =	ssyncset.done $0x0  }
0xa0: {  	[sflag:s22] =	ssyncadd.s32 s4;
	_ =	sdelay $0x1  }
0xa1: {  	s23 =	simm.s32 $0x1B8B  }
0xa2: {  	_ =	swait.ge [sflag:s23], $0x1  }
0xa3: {  	[sflag:s23] =	ssyncset.done $0x0  }
0xa4: {  	s25 =	simm.s32 $0x1B8E;
	s24 =	sld [smem:$0x3FFE];
	[sflag:s23] =	ssyncadd.s32 $0xFFFFFFFF  }
0xa5: {  	s26 =	simm.s32 $execute0_lowered;
	[smem:$0x3FD2] =	sst s25  }
0xa6: {  	s5 =	sshll.u32 s26, $0x1;
	_ =	strace $0x80000046;
	[dreg:$0x1] =	wrdreg $0xFFFFFFFF  }
0xa7: {  	s28 =	simm.s32 $_size_execute0_lowered;
	s3 =	sadd.s32 s3, s5;
	[dreg:$0x0] =	wrdreg $0x0  }
0xa8: {  	s5 =	sshll.u32 s28, $0x1;
	[dreg:$0x2] =	wrdreg s3  }
0xa9: {  	[dreg:$0x3] =	wrdreg s5  }
0xaa: {  	[dreg:$0x4] =	wrdreg $0xC0  }
0xab: {  	_ =	task [dreg:s7], $0x5FFFF  }
0xac: {  	[dreg:$0x1] =	wrdreg $0xFFFFFFFF  }
0xad: {  	[dreg:$0x0] =	wrdreg $0x60  }
0xae: {  	[dreg:$0x2] =	wrdreg s24  }
0xaf: {  	[dreg:$0x3] =	wrdreg s2  }
0xb0: {  	[dreg:$0x4] =	wrdreg $0x9  }
0xb1: {  	_ =	task.clear_ibuf [dreg:s7], $0x5FFFF;
	_ =	strace $0x90000046  }
0xb2: {  	s29 =	simm.s32 $0x9;
	_ =	strace $0x80000048  }
0xb3: {  	_ =	swait.ge [sflag:s29], $0x1  }
0xb4: {  	[sflag:s29] =	ssyncadd.s32 $0xFFFFFFFF  }
0xb5: {  	_ =	strace $0x90000048  }
0xb6: {  	_ =	sfence  }
0xb7: {  	s30 =	sld [smem:$0x0];
	_ =	sdelay $0x2  }
0xb8: {  	s31 =	sshll.u32 s1, $0xD;
	s1 =	sshrl.u32 s1, $0x2  }
0xb9: {  	s3 =	sand.u32 $0x4000, s31;
	s1 =	sadd.s32 s1, s30  }
0xba: {  	s0 =	sor.u32 s3, s0;
	s1 =	sshll.u32 s1, $0x11  }
0xbb: {  	s0 =	sor.u32 s1, s0  }
0xbc: {  	s0 =	sadd.s32 $0x8F2B, s0  }
0xbd: {  	[sflag:s0] =	ssyncadd.remote.s32 $0x1  }
0xbe: {  	_ =	sfence.sel $0xFFFF  }
0xbf: {  	[dreg:$0x0] =	wrdreg $0xFFFFFFFF;
	(pc) =	sbr.abs _section_cstart, $3  }
0xc0: {  	[dreg:$0x1] =	wrdreg $0xFFFFFFFF  }
0xc1: {  	_ =	task.clear_ibuf [dreg:s7], $0x2FFFF;
	_ =	strace $0x9FFFFFFF  }
0xc2: {  	(tm) =	ssettm $0x7FFFFFFF  }
0xc3: {  	_ =	shalt  }
tec
execute0_lowered:
.L_overlay_start_1:
0x0: {  	(tag) =	ssettag $0x1  }
0x1: {  	s4 =	rddreg [dreg:$0x0]  }
0x2: {  	s5 =	rddreg [dreg:$0x1]  }
0x3: {  	s0 =	rddreg [dreg:$0x2];
	s3 =	srdreg.scid  }
0x4: {  	s1 =	stileid.u32;
	s2 =	simm.s32 $0x0;
	s10 =	simm.s32 $0x6400  }
0x5: {  	s11 =	simm.s32 $0xA400;
	s12 =	simm.s32 $0xE400;
	s13 =	simm.s32 $0x12400  }
0x6: {  	s14 =	simm.s32 $0x1;
	s15 =	simm.s32 $0x3;
	s16 =	simm.s32 $0x2  }
0x7: {  	s17 =	simm.s32 $0x4;
	s3 =	sand.u32 $0x1, s3;
	s6 =	sshll.u32 s1, $0x1  }
0x8: {  	s18 =	simm.s32 $0x0;
	[smem:$0x7FF] =	sst s2;
	s6 =	sor.u32 s3, s6  }
0x9: {  	_ =	strace $0x80000047;
	s7 =	ssub.s32 $0x2, s3;
	s3 =	sadd.s32 $0xF42E00, s4  }
0xa: {  	s4 =	sadd.s32 $0xA00, s4;
	s8 =	smul.u32 $0xC80, s6;
	s9 =	sshrl.u32 s7, $0x1  }
0xb: {  	s6 =	smul.u32 $0x320000, s6;
	s7 =	ssub.s32 s7, s9;
	s9 =	simm.s32 $0x80  }
0xc: {  	s5 =	sadd.s32 s5, s8;
	s7 =	smax.u32 s7, $0x1;
	s8 =	simm.s32 $0x5  }
.LBB2_1:
0xd: {  	[tilespmem:s2], [sflag:$0x5] =	stream.linear.gather [hbm4b:s5+s2], $0x6400, $0x38;
	[tilespmem:$0x16400] =	vst v63  }
0xe: {  	_ =	swait.ge [sflag:s8], $0x6400  }
0xf: {  	[sflag:s8] =	ssyncset.done $0x0  }
0x10: {  	[sflag:s8] =	ssyncadd.s32 $0xFFFF9C00  }
0x11: {  	[tilespmem:s10], [sflag:$0x1] =	stream.indirect.gather [hbm4b:s3+s9], $0x80, s2, s9, $0xb8;
	[tilespmem:$0x16400] =	vst v63  }
0x12: {  	s19 =	simm.s32 $0x0  }
0x13: {  	[tilespmem:s11], [sflag:$0x1] =	stream.indirect.gather [hbm4b:s3+s9], $0x80, s9, s9, $0xb8;
	[tilespmem:$0x16400] =	vst v63  }
.LBB2_2:
0x14: {  	p0 =	seq.s32 s19, $0x0  }
0x15: {  	s20 =	sshll.u32 s19, $0x1;
	s21 =	simm.s32 @!p0 $0x4  }
0x16: {  	s20 =	sor.u32 $0x1, s20;
	_ =	swait.ge @!p0 [sflag:s21], $0x8000  }
0x17: {  	s22 =	sshll.u32 s20, $0x8;
	[sflag:s21] =	ssyncset.done @!p0 $0x0  }
0x18: {  	s31 =	sand.u32 $0x3FFFFF00, s22;
	[sflag:s21] =	ssyncadd.s32 @!p0 $0xFFFF8000  }
0x19: {  	[tilespmem:s12], [sflag:$0x2] =	stream.indirect.gather [hbm4b:s3+s9], $0x80, s31, s9, $0xb8;
	[tilespmem:$0x16400] =	vst v63  }
0x1a: {  	s21 =	sor.u32 $0x80, s31  }
0x1b: {  	[tilespmem:s13], [sflag:$0x2] =	stream.indirect.gather [hbm4b:s3+s9], $0x80, s21, s9, $0xb8;
	[tilespmem:$0x16400] =	vst v63  }
0x1c: {  	_ =	swait.ge [sflag:s14], $0x8000  }
0x1d: {  	[sflag:s14] =	ssyncset.done $0x0  }
0x1e: {  	s21 =	simm.s32 $0x6600;
	[sflag:s14] =	ssyncadd.s32 $0xFFFF8000  }
0x1f: {  	v0 =	vld [tilespmem:s21+$0x120]  }
0x20: {  	v1 =	vld [tilespmem:s21+$0xFFFFFF20]  }
0x21: {  	v2 =	vld [tilespmem:s21+$0xFFFFFF10]  }
0x22: {  	v3 =	vld [tilespmem:s21+$0xFFFFFF00]  }
0x23: {  	v4 =	vld [tilespmem:s21+$0xFFFFFF30]  }
0x24: {  	v5 =	vld [tilespmem:s21+$0xFFFFFEB0]  }
0x25: {  	v6 =	vld [tilespmem:s21+$0xFFFFFF80]  }
0x26: {  	v12 =	vld [tilespmem:s21+$0xFFFFFEA0]  }
0x27: {  	v7 =	vld [tilespmem:s21+$0xFFFFFF90]  }
0x28: {  	v8 =	vld [tilespmem:s21+$0xFFFFFFA0]  }
0x29: {  	v9 =	vld [tilespmem:s21+$0x190]  }
0x2a: {  	v10 =	vld [tilespmem:s21+$0x1A0]  }
0x2b: {  	v11 =	vld [tilespmem:s21+$0xFFFFFE00]  }
0x2c: {  	v13 =	vld [tilespmem:s21+$0xFFFFFFB0]  }
0x2d: {  	v14 =	vld [tilespmem:s21+$0x0];
	v0 =	vmul.f32 $8.000000000e+00, v0  }
0x2e: {  	v15 =	vld [tilespmem:s21+$0x10];
	v9 =	vmul.f32 $8.000000000e+00, v9  }
0x2f: {  	v16 =	vld [tilespmem:s21+$0x20];
	v17 =	vmul.f32 $8.000000000e+00, v8;
	[tilespmem:s21+$0x120] =	vst v0  }
0x30: {  	v18 =	vld [tilespmem:s21+$0xFFFFFE30];
	v20 =	vmul.f32 $8.000000000e+00, v6;
	[tilespmem:s21+$0x190] =	vst v9  }
0x31: {  	v21 =	vld [tilespmem:s21+$0xFFFFFE10];
	v0 =	vmul.f32 $8.000000000e+00, v10;
	[tilespmem:s21+$0xFFFFFFA0] =	vst v17  }
0x32: {  	v10 =	vmul.f32 $8.000000000e+00, v11;
	v11 =	vld [tilespmem:s21+$0x30];
	[tilespmem:s21+$0xFFFFFF80] =	vst v20  }
0x33: {  	v9 =	vmul.f32 $8.000000000e+00, v13;
	v13 =	vld [tilespmem:s21+$0x80];
	[tilespmem:s21+$0x1A0] =	vst v0  }
0x34: {  	[tilespmem:s21+$0xFFFFFE00] =	vst v10;
	v0 =	vmul.f32 $8.000000000e+00, v14;
	v10 =	vld [tilespmem:s21+$0x90]  }
0x35: {  	[tilespmem:s21+$0xFFFFFFB0] =	vst v9;
	v9 =	vmul.f32 $8.000000000e+00, v15;
	v14 =	vld [tilespmem:s21+$0x1B0]  }
0x36: {  	v8 =	vmul.f32 $8.000000000e+00, v1;
	v15 =	vld [tilespmem:s21+$0xFFFFFE90];
	[tilespmem:s21+$0x0] =	vst v0;
	v0 =	vmul.f32 $8.000000000e+00, v16  }
0x37: {  	v19 =	vld [tilespmem:s21+$0xFFFFFE20];
	v6 =	vmul.f32 $8.000000000e+00, v12;
	[tilespmem:s21+$0x10] =	vst v9;
	v9 =	vmul.f32 $8.000000000e+00, v11  }
0x38: {  	v22 =	vld [tilespmem:s21+$0x130];
	v1 =	vmul.f32 $8.000000000e+00, v21;
	[tilespmem:s21+$0x20] =	vst v0;
	v0 =	vmul.f32 $8.000000000e+00, v13  }
0x39: {  	v16 =	vld [tilespmem:s21+$0xFFFFFE80];
	v13 =	vmul.f32 $8.000000000e+00, v7;
	[tilespmem:s21+$0x30] =	vst v9;
	v7 =	vmul.f32 $8.000000000e+00, v10  }
0x3a: {  	v11 =	vld [tilespmem:s21+$0x110];
	v9 =	vmul.f32 $8.000000000e+00, v2;
	v10 =	vmul.f32 $8.000000000e+00, v3;
	[tilespmem:s21+$0x80] =	vst v0  }
0x3b: {  	v12 =	vld [tilespmem:s21+$0x180];
	v3 =	vmul.f32 $8.000000000e+00, v15;
	v0 =	vmul.f32 $8.000000000e+00, v14;
	[tilespmem:s21+$0xFFFFFF90] =	vst v13  }
0x3c: {  	v2 =	vmul.f32 $8.000000000e+00, v18;
	v14 =	vmul.f32 $8.000000000e+00, v4;
	v13 =	vld [tilespmem:s21+$0x100];
	[tilespmem:s21+$0x90] =	vst v7  }
0x3d: {  	v15 =	vld [tilespmem:s21+$0xB0];
	v4 =	vmul.f32 $8.000000000e+00, v19;
	v7 =	vmul.f32 $8.000000000e+00, v5;
	[tilespmem:s21+$0x1B0] =	vst v0  }
0x3e: {  	s23 =	simm.s32 $0x6A00;
	s22 =	simm.s32 $0x0;
	v5 =	vmul.f32 $8.000000000e+00, v22;
	v0 =	vmul.f32 $8.000000000e+00, v16;
	[tilespmem:s21+$0xFFFFFF30] =	vst v14;
	v14 =	vld [tilespmem:s21+$0xA0]  }
.LBB2_3:
0x3f: {  	v16 =	vld [tilespmem:s23+$0x120];
	s22 =	sadd.s32 $0x8, s22;
	[tilespmem:s21+$0xFFFFFF20] =	vst v8;
	v8 =	vmul.f32 $8.000000000e+00, v11  }
0x40: {  	v11 =	vld [tilespmem:s23+$0xFFFFFF20];
	p0 =	slt.u32 s22, $0xF8;
	[tilespmem:s21+$0xFFFFFF10] =	vst v9;
	v9 =	vmul.f32 $8.000000000e+00, v12  }
0x41: {  	v12 =	vld [tilespmem:s23+$0xFFFFFF10];
	[tilespmem:s21+$0xFFFFFF00] =	vst v10;
	v10 =	vmul.f32 $8.000000000e+00, v13  }
0x42: {  	v13 =	vld [tilespmem:s23+$0xFFFFFF00];
	v15 =	vmul.f32 $8.000000000e+00, v15;
	[tilespmem:s21+$0x180] =	vst v9  }
0x43: {  	v9 =	vld [tilespmem:s23+$0xFFFFFF30];
	[tilespmem:s21+$0xFFFFFEB0] =	vst v7;
	v7 =	vmul.f32 $8.000000000e+00, v14  }
0x44: {  	v14 =	vld [tilespmem:s23+$0xFFFFFEB0];
	v16 =	vmul.f32 $8.000000000e+00, v16;
	[tilespmem:s21+$0x100] =	vst v10  }
0x45: {  	v10 =	vld [tilespmem:s23+$0xFFFFFF80];
	[tilespmem:s21+$0xFFFFFEA0] =	vst v6  }
0x46: {  	v6 =	vld [tilespmem:s23+$0xFFFFFEA0];
	[tilespmem:s21+$0xB0] =	vst v15  }
0x47: {  	v15 =	vld [tilespmem:s23+$0xFFFFFF90];
	[tilespmem:s21+$0xFFFFFE90] =	vst v3  }
0x48: {  	v3 =	vld [tilespmem:s23+$0xFFFFFFA0];
	[tilespmem:s21+$0xA0] =	vst v7  }
0x49: {  	v7 =	vld [tilespmem:s23+$0x190];
	[tilespmem:s21+$0xFFFFFE80] =	vst v0  }
0x4a: {  	v0 =	vld [tilespmem:s23+$0x1A0];
	[tilespmem:s21+$0xFFFFFE30] =	vst v2  }
0x4b: {  	v2 =	vld [tilespmem:s23+$0xFFFFFE00];
	[tilespmem:s21+$0xFFFFFE20] =	vst v4  }
0x4c: {  	v4 =	vld [tilespmem:s23+$0xFFFFFFB0];
	[tilespmem:s21+$0x110] =	vst v8  }
0x4d: {  	v8 =	vld [tilespmem:s23+$0x0];
	[tilespmem:s21+$0xFFFFFE10] =	vst v1  }
0x4e: {  	v1 =	vld [tilespmem:s23+$0x10];
	v7 =	vmul.f32 $8.000000000e+00, v7;
	[tilespmem:s21+$0x130] =	vst v5;
	s21 =	smov.u32 s23  }
0x4f: {  	v5 =	vld [tilespmem:s23+$0x20];
	[tilespmem:s23+$0x120] =	vst v16;
	v0 =	vmul.f32 $8.000000000e+00, v0  }
0x50: {  	v16 =	vmul.f32 $8.000000000e+00, v3;
	v2 =	vmul.f32 $8.000000000e+00, v2;
	v3 =	vld [tilespmem:s23+$0x30];
	[tilespmem:s23+$0x190] =	vst v7  }
0x51: {  	v15 =	vmul.f32 $8.000000000e+00, v15;
	v4 =	vmul.f32 $8.000000000e+00, v4;
	v7 =	vld [tilespmem:s23+$0x80];
	[tilespmem:s23+$0x1A0] =	vst v0  }
0x52: {  	v17 =	vmul.f32 $8.000000000e+00, v10;
	[tilespmem:s23+$0xFFFFFE00] =	vst v2;
	v0 =	vmul.f32 $8.000000000e+00, v8;
	v2 =	vld [tilespmem:s23+$0x90]  }
0x53: {  	v18 =	vmul.f32 $8.000000000e+00, v9;
	[tilespmem:s23+$0xFFFFFFB0] =	vst v4;
	v1 =	vmul.f32 $8.000000000e+00, v1;
	v4 =	vld [tilespmem:s23+$0x1B0]  }
0x54: {  	v8 =	vmul.f32 $8.000000000e+00, v11;
	v19 =	vld [tilespmem:s23+$0xFFFFFE90];
	[tilespmem:s23+$0x0] =	vst v0;
	v0 =	vmul.f32 $8.000000000e+00, v5  }
0x55: {  	v9 =	vmul.f32 $8.000000000e+00, v12;
	v5 =	vld [tilespmem:s23+$0xFFFFFE80];
	[tilespmem:s23+$0x10] =	vst v1;
	v1 =	vmul.f32 $8.000000000e+00, v3  }
0x56: {  	v10 =	vmul.f32 $8.000000000e+00, v13;
	v12 =	vld [tilespmem:s23+$0xFFFFFE30];
	[tilespmem:s23+$0x20] =	vst v0;
	v0 =	vmul.f32 $8.000000000e+00, v7  }
0x57: {  	v7 =	vmul.f32 $8.000000000e+00, v14;
	v13 =	vld [tilespmem:s23+$0xFFFFFE20];
	[tilespmem:s23+$0x30] =	vst v1;
	v1 =	vmul.f32 $8.000000000e+00, v2  }
0x58: {  	v6 =	vmul.f32 $8.000000000e+00, v6;
	v14 =	vld [tilespmem:s23+$0xFFFFFE10];
	[tilespmem:s23+$0x80] =	vst v0;
	v2 =	vmul.f32 $8.000000000e+00, v4  }
0x59: {  	v3 =	vmul.f32 $8.000000000e+00, v19;
	[tilespmem:s23+$0x90] =	vst v1;
	v19 =	vld [tilespmem:s23+$0x130]  }
.Ltmp0:
0x5a: {  	v0 =	vmul.f32 $8.000000000e+00, v5;
	v11 =	vld [tilespmem:s23+$0x110];
	[tilespmem:s23+$0x1B0] =	vst v2;
	(pc) =	sbr.rel @p0 .LBB2_3-.Ltmp0, $4  }
0x5b: {  	v2 =	vmul.f32 $8.000000000e+00, v12;
	[tilespmem:s23+$0xFFFFFFA0] =	vst v16;
	v12 =	vld [tilespmem:s23+$0x180]  }
0x5c: {  	v4 =	vmul.f32 $8.000000000e+00, v13;
	[tilespmem:s23+$0xFFFFFF90] =	vst v15;
	v13 =	vld [tilespmem:s23+$0x100]  }
0x5d: {  	v1 =	vmul.f32 $8.000000000e+00, v14;
	[tilespmem:s23+$0xFFFFFF80] =	vst v17;
	v15 =	vld [tilespmem:s23+$0xB0]  }
0x5e: {  	s23 =	sadd.s32 $0x400, s23;
	[tilespmem:s21+$0xFFFFFF30] =	vst v18;
	v14 =	vld [tilespmem:s21+$0xA0];
	v5 =	vmul.f32 $8.000000000e+00, v19  }
0x5f: {  	[tilespmem:s21+$0xFFFFFF20] =	vst v8  }
0x60: {  	[tilespmem:s21+$0xFFFFFF10] =	vst v9  }
0x61: {  	[tilespmem:s21+$0xFFFFFF00] =	vst v10  }
0x62: {  	[tilespmem:s21+$0xFFFFFEB0] =	vst v7  }
0x63: {  	[tilespmem:s21+$0xFFFFFEA0] =	vst v6  }
0x64: {  	[tilespmem:s21+$0xFFFFFE90] =	vst v3  }
0x65: {  	[tilespmem:s21+$0xFFFFFE80] =	vst v0  }
0x66: {  	[tilespmem:s21+$0xFFFFFE30] =	vst v2  }
0x67: {  	[tilespmem:s21+$0xFFFFFE20] =	vst v4  }
0x68: {  	v0 =	vmul.f32 $8.000000000e+00, v11;
	[tilespmem:s21+$0xFFFFFE10] =	vst v1  }
0x69: {  	v8 =	vmul.f32 $8.000000000e+00, v12;
	[tilespmem:s21+$0x130] =	vst v5  }
0x6a: {  	v9 =	vmul.f32 $8.000000000e+00, v13;
	[tilespmem:s21+$0x110] =	vst v0  }
0x6b: {  	s22 =	sshll.u32 s19, $0x10;
	[tilespmem:s21+$0x180] =	vst v8;
	v7 =	vmul.f32 $8.000000000e+00, v15  }
0x6c: {  	s22 =	sadd.s32 s6, s22;
	[tilespmem:s21+$0x100] =	vst v9;
	v6 =	vmul.f32 $8.000000000e+00, v14  }
0x6d: {  	s22 =	sshrl.u32 s22, $0x3;
	[tilespmem:s21+$0xB0] =	vst v7  }
0x6e: {  	p0 =	seq.s32 s19, $0x31;
	s31 =	sadd.s32 s4, s22;
	[tilespmem:s21+$0xA0] =	vst v6  }
0x6f: {  	[hbm4b:s31+s2] =	stream.linear.scatter [tilespmem:s10], [sflag:$0x3], $0x8000, $0x38;
	[tilespmem:$0x16400] =	vst v63  }
0x70: {  	s21 =	sshll.u32 @!p0 s19, $0x9;
	_ =	swait.ge [sflag:s15], $0x8000  }
0x71: {  	s23 =	simm.s32 @!p0 $0x80;
	s21 =	sand.u32 @!p0 $0x3FFFFE00, s21;
	[sflag:s15] =	ssyncset.done $0x0  }
0x72: {  	s24 =	simm.s32 @!p0 $0x6400;
	s22 =	sadd.s32 @!p0 $0x200, s21;
	[sflag:s15] =	ssyncadd.s32 $0xFFFF8000  }
0x73: {  	[tilespmem:s24], [sflag:$0x1] =	stream.indirect.gather @!p0 [hbm4b:s3+s23], $0x80, s22, s23, $0xb8;
	[tilespmem:$0x16400] =	vst v63  }
0x74: {  	s21 =	sadd.s32 @!p0 $0x280, s21;
	s22 =	simm.s32 @!p0 $0xA400  }
0x75: {  	[tilespmem:s22], [sflag:$0x1] =	stream.indirect.gather @!p0 [hbm4b:s3+s23], $0x80, s21, s23, $0xb8;
	[tilespmem:$0x16400] =	vst v63  }
0x76: {  	_ =	swait.ge [sflag:s16], $0x8000  }
0x77: {  	[sflag:s16] =	ssyncset.done $0x0  }
0x78: {  	s21 =	simm.s32 $0xE600;
	[sflag:s16] =	ssyncadd.s32 $0xFFFF8000  }
0x79: {  	v0 =	vld [tilespmem:s21+$0x120]  }
0x7a: {  	v1 =	vld [tilespmem:s21+$0xFFFFFF20]  }
0x7b: {  	v2 =	vld [tilespmem:s21+$0xFFFFFF10]  }
0x7c: {  	v3 =	vld [tilespmem:s21+$0xFFFFFF00]  }
0x7d: {  	v4 =	vld [tilespmem:s21+$0xFFFFFF30]  }
0x7e: {  	v5 =	vld [tilespmem:s21+$0xFFFFFEB0]  }
0x7f: {  	v6 =	vld [tilespmem:s21+$0xFFFFFF80]  }
0x80: {  	v12 =	vld [tilespmem:s21+$0xFFFFFEA0]  }
0x81: {  	v7 =	vld [tilespmem:s21+$0xFFFFFF90]  }
0x82: {  	v8 =	vld [tilespmem:s21+$0xFFFFFFA0]  }
0x83: {  	v9 =	vld [tilespmem:s21+$0x190]  }
0x84: {  	v10 =	vld [tilespmem:s21+$0x1A0]  }
0x85: {  	v11 =	vld [tilespmem:s21+$0xFFFFFE00]  }
0x86: {  	v13 =	vld [tilespmem:s21+$0xFFFFFFB0]  }
0x87: {  	v14 =	vld [tilespmem:s21+$0x0];
	v0 =	vmul.f32 $8.000000000e+00, v0  }
0x88: {  	v15 =	vld [tilespmem:s21+$0x10];
	v9 =	vmul.f32 $8.000000000e+00, v9  }
0x89: {  	v16 =	vld [tilespmem:s21+$0x20];
	v17 =	vmul.f32 $8.000000000e+00, v8;
	[tilespmem:s21+$0x120] =	vst v0  }
0x8a: {  	v18 =	vld [tilespmem:s21+$0xFFFFFE30];
	v20 =	vmul.f32 $8.000000000e+00, v6;
	[tilespmem:s21+$0x190] =	vst v9  }
0x8b: {  	v21 =	vld [tilespmem:s21+$0xFFFFFE10];
	v0 =	vmul.f32 $8.000000000e+00, v10;
	[tilespmem:s21+$0xFFFFFFA0] =	vst v17  }
0x8c: {  	v10 =	vmul.f32 $8.000000000e+00, v11;
	v11 =	vld [tilespmem:s21+$0x30];
	[tilespmem:s21+$0xFFFFFF80] =	vst v20  }
0x8d: {  	v9 =	vmul.f32 $8.000000000e+00, v13;
	v13 =	vld [tilespmem:s21+$0x80];
	[tilespmem:s21+$0x1A0] =	vst v0  }
0x8e: {  	[tilespmem:s21+$0xFFFFFE00] =	vst v10;
	v0 =	vmul.f32 $8.000000000e+00, v14;
	v10 =	vld [tilespmem:s21+$0x90]  }
0x8f: {  	[tilespmem:s21+$0xFFFFFFB0] =	vst v9;
	v9 =	vmul.f32 $8.000000000e+00, v15;
	v14 =	vld [tilespmem:s21+$0x1B0]  }
0x90: {  	v8 =	vmul.f32 $8.000000000e+00, v1;
	v15 =	vld [tilespmem:s21+$0xFFFFFE90];
	[tilespmem:s21+$0x0] =	vst v0;
	v0 =	vmul.f32 $8.000000000e+00, v16  }
0x91: {  	v19 =	vld [tilespmem:s21+$0xFFFFFE20];
	v6 =	vmul.f32 $8.000000000e+00, v12;
	[tilespmem:s21+$0x10] =	vst v9;
	v9 =	vmul.f32 $8.000000000e+00, v11  }
0x92: {  	v22 =	vld [tilespmem:s21+$0x130];
	v1 =	vmul.f32 $8.000000000e+00, v21;
	[tilespmem:s21+$0x20] =	vst v0;
	v0 =	vmul.f32 $8.000000000e+00, v13  }
0x93: {  	v16 =	vld [tilespmem:s21+$0xFFFFFE80];
	v13 =	vmul.f32 $8.000000000e+00, v7;
	[tilespmem:s21+$0x30] =	vst v9;
	v7 =	vmul.f32 $8.000000000e+00, v10  }
0x94: {  	v11 =	vld [tilespmem:s21+$0x110];
	v9 =	vmul.f32 $8.000000000e+00, v2;
	v10 =	vmul.f32 $8.000000000e+00, v3;
	[tilespmem:s21+$0x80] =	vst v0  }
0x95: {  	v12 =	vld [tilespmem:s21+$0x180];
	v3 =	vmul.f32 $8.000000000e+00, v15;
	v0 =	vmul.f32 $8.000000000e+00, v14;
	[tilespmem:s21+$0xFFFFFF90] =	vst v13  }
0x96: {  	v2 =	vmul.f32 $8.000000000e+00, v18;
	v14 =	vmul.f32 $8.000000000e+00, v4;
	v13 =	vld [tilespmem:s21+$0x100];
	[tilespmem:s21+$0x90] =	vst v7  }
0x97: {  	v15 =	vld [tilespmem:s21+$0xB0];
	v4 =	vmul.f32 $8.000000000e+00, v19;
	v7 =	vmul.f32 $8.000000000e+00, v5;
	[tilespmem:s21+$0x1B0] =	vst v0  }
0x98: {  	s22 =	simm.s32 $0x0;
	s23 =	simm.s32 $0xEA00;
	v5 =	vmul.f32 $8.000000000e+00, v22;
	v0 =	vmul.f32 $8.000000000e+00, v16;
	[tilespmem:s21+$0xFFFFFF30] =	vst v14;
	v14 =	vld [tilespmem:s21+$0xA0]  }
.LBB2_5:
0x99: {  	v16 =	vld [tilespmem:s23+$0x120];
	s22 =	sadd.s32 $0x8, s22;
	[tilespmem:s21+$0xFFFFFF20] =	vst v8;
	v8 =	vmul.f32 $8.000000000e+00, v11  }
0x9a: {  	v11 =	vld [tilespmem:s23+$0xFFFFFF20];
	p0 =	slt.u32 s22, $0xF8;
	[tilespmem:s21+$0xFFFFFF10] =	vst v9;
	v9 =	vmul.f32 $8.000000000e+00, v12  }
0x9b: {  	v12 =	vld [tilespmem:s23+$0xFFFFFF10];
	[tilespmem:s21+$0xFFFFFF00] =	vst v10;
	v10 =	vmul.f32 $8.000000000e+00, v13  }
0x9c: {  	v13 =	vld [tilespmem:s23+$0xFFFFFF00];
	v15 =	vmul.f32 $8.000000000e+00, v15;
	[tilespmem:s21+$0x180] =	vst v9  }
0x9d: {  	v9 =	vld [tilespmem:s23+$0xFFFFFF30];
	[tilespmem:s21+$0xFFFFFEB0] =	vst v7;
	v7 =	vmul.f32 $8.000000000e+00, v14  }
0x9e: {  	v14 =	vld [tilespmem:s23+$0xFFFFFEB0];
	v16 =	vmul.f32 $8.000000000e+00, v16;
	[tilespmem:s21+$0x100] =	vst v10  }
0x9f: {  	v10 =	vld [tilespmem:s23+$0xFFFFFF80];
	[tilespmem:s21+$0xFFFFFEA0] =	vst v6  }
0xa0: {  	v6 =	vld [tilespmem:s23+$0xFFFFFEA0];
	[tilespmem:s21+$0xB0] =	vst v15  }
0xa1: {  	v15 =	vld [tilespmem:s23+$0xFFFFFF90];
	[tilespmem:s21+$0xFFFFFE90] =	vst v3  }
0xa2: {  	v3 =	vld [tilespmem:s23+$0xFFFFFFA0];
	[tilespmem:s21+$0xA0] =	vst v7  }
0xa3: {  	v7 =	vld [tilespmem:s23+$0x190];
	[tilespmem:s21+$0xFFFFFE80] =	vst v0  }
0xa4: {  	v0 =	vld [tilespmem:s23+$0x1A0];
	[tilespmem:s21+$0xFFFFFE30] =	vst v2  }
0xa5: {  	v2 =	vld [tilespmem:s23+$0xFFFFFE00];
	[tilespmem:s21+$0xFFFFFE20] =	vst v4  }
0xa6: {  	v4 =	vld [tilespmem:s23+$0xFFFFFFB0];
	[tilespmem:s21+$0x110] =	vst v8  }
0xa7: {  	v8 =	vld [tilespmem:s23+$0x0];
	[tilespmem:s21+$0xFFFFFE10] =	vst v1  }
0xa8: {  	v1 =	vld [tilespmem:s23+$0x10];
	v7 =	vmul.f32 $8.000000000e+00, v7;
	[tilespmem:s21+$0x130] =	vst v5;
	s21 =	smov.u32 s23  }
0xa9: {  	v5 =	vld [tilespmem:s23+$0x20];
	[tilespmem:s23+$0x120] =	vst v16;
	v0 =	vmul.f32 $8.000000000e+00, v0  }
0xaa: {  	v16 =	vmul.f32 $8.000000000e+00, v3;
	v2 =	vmul.f32 $8.000000000e+00, v2;
	v3 =	vld [tilespmem:s23+$0x30];
	[tilespmem:s23+$0x190] =	vst v7  }
0xab: {  	v15 =	vmul.f32 $8.000000000e+00, v15;
	v4 =	vmul.f32 $8.000000000e+00, v4;
	v7 =	vld [tilespmem:s23+$0x80];
	[tilespmem:s23+$0x1A0] =	vst v0  }
0xac: {  	v17 =	vmul.f32 $8.000000000e+00, v10;
	[tilespmem:s23+$0xFFFFFE00] =	vst v2;
	v0 =	vmul.f32 $8.000000000e+00, v8;
	v2 =	vld [tilespmem:s23+$0x90]  }
0xad: {  	v18 =	vmul.f32 $8.000000000e+00, v9;
	[tilespmem:s23+$0xFFFFFFB0] =	vst v4;
	v1 =	vmul.f32 $8.000000000e+00, v1;
	v4 =	vld [tilespmem:s23+$0x1B0]  }
0xae: {  	v8 =	vmul.f32 $8.000000000e+00, v11;
	v19 =	vld [tilespmem:s23+$0xFFFFFE90];
	[tilespmem:s23+$0x0] =	vst v0;
	v0 =	vmul.f32 $8.000000000e+00, v5  }
0xaf: {  	v9 =	vmul.f32 $8.000000000e+00, v12;
	v5 =	vld [tilespmem:s23+$0xFFFFFE80];
	[tilespmem:s23+$0x10] =	vst v1;
	v1 =	vmul.f32 $8.000000000e+00, v3  }
0xb0: {  	v10 =	vmul.f32 $8.000000000e+00, v13;
	v12 =	vld [tilespmem:s23+$0xFFFFFE30];
	[tilespmem:s23+$0x20] =	vst v0;
	v0 =	vmul.f32 $8.000000000e+00, v7  }
0xb1: {  	v7 =	vmul.f32 $8.000000000e+00, v14;
	v13 =	vld [tilespmem:s23+$0xFFFFFE20];
	[tilespmem:s23+$0x30] =	vst v1;
	v1 =	vmul.f32 $8.000000000e+00, v2  }
0xb2: {  	v6 =	vmul.f32 $8.000000000e+00, v6;
	v14 =	vld [tilespmem:s23+$0xFFFFFE10];
	[tilespmem:s23+$0x80] =	vst v0;
	v2 =	vmul.f32 $8.000000000e+00, v4  }
0xb3: {  	v3 =	vmul.f32 $8.000000000e+00, v19;
	[tilespmem:s23+$0x90] =	vst v1;
	v19 =	vld [tilespmem:s23+$0x130]  }
.Ltmp1:
0xb4: {  	v0 =	vmul.f32 $8.000000000e+00, v5;
	v11 =	vld [tilespmem:s23+$0x110];
	[tilespmem:s23+$0x1B0] =	vst v2;
	(pc) =	sbr.rel @p0 .LBB2_5-.Ltmp1, $4  }
0xb5: {  	v2 =	vmul.f32 $8.000000000e+00, v12;
	[tilespmem:s23+$0xFFFFFFA0] =	vst v16;
	v12 =	vld [tilespmem:s23+$0x180]  }
0xb6: {  	v4 =	vmul.f32 $8.000000000e+00, v13;
	[tilespmem:s23+$0xFFFFFF90] =	vst v15;
	v13 =	vld [tilespmem:s23+$0x100]  }
0xb7: {  	v1 =	vmul.f32 $8.000000000e+00, v14;
	[tilespmem:s23+$0xFFFFFF80] =	vst v17;
	v15 =	vld [tilespmem:s23+$0xB0]  }
0xb8: {  	s23 =	sadd.s32 $0x400, s23;
	[tilespmem:s21+$0xFFFFFF30] =	vst v18;
	v14 =	vld [tilespmem:s21+$0xA0];
	v5 =	vmul.f32 $8.000000000e+00, v19  }
0xb9: {  	[tilespmem:s21+$0xFFFFFF20] =	vst v8  }
0xba: {  	[tilespmem:s21+$0xFFFFFF10] =	vst v9  }
0xbb: {  	[tilespmem:s21+$0xFFFFFF00] =	vst v10  }
0xbc: {  	[tilespmem:s21+$0xFFFFFEB0] =	vst v7  }
0xbd: {  	[tilespmem:s21+$0xFFFFFEA0] =	vst v6  }
0xbe: {  	[tilespmem:s21+$0xFFFFFE90] =	vst v3  }
0xbf: {  	[tilespmem:s21+$0xFFFFFE80] =	vst v0  }
0xc0: {  	[tilespmem:s21+$0xFFFFFE30] =	vst v2  }
0xc1: {  	[tilespmem:s21+$0xFFFFFE20] =	vst v4  }
0xc2: {  	v63 =	vmul.f32 $8.000000000e+00, v11;
	[tilespmem:s21+$0xFFFFFE10] =	vst v1  }
0xc3: {  	s19 =	sadd.s32 $0x1, s19;
	v59 =	vmul.f32 $8.000000000e+00, v12;
	[tilespmem:s21+$0x130] =	vst v5  }
0xc4: {  	p0 =	sne.s32 s19, $0x32;
	v60 =	vmul.f32 $8.000000000e+00, v13;
	[tilespmem:s21+$0x110] =	vst v63  }
.Ltmp2:
0xc5: {  	s20 =	sshll.u32 s20, $0xF;
	[tilespmem:s21+$0x180] =	vst v59;
	v61 =	vmul.f32 $8.000000000e+00, v15;
	(pc) =	sbr.rel @p0 .LBB2_2-.Ltmp2, $4  }
0xc6: {  	s20 =	sadd.s32 s6, s20;
	[tilespmem:s21+$0x100] =	vst v60;
	v62 =	vmul.f32 $8.000000000e+00, v14  }
0xc7: {  	s20 =	sshrl.u32 s20, $0x3;
	[tilespmem:s21+$0xB0] =	vst v61  }
0xc8: {  	s20 =	sadd.s32 s4, s20;
	[tilespmem:s21+$0xA0] =	vst v62  }
0xc9: {  	[hbm4b:s20+s2] =	stream.linear.scatter [tilespmem:s12], [sflag:$0x4], $0x8000, $0x38;
	[tilespmem:$0x16400] =	vst v63  }
0xca: {  	s18 =	sadd.s32 $0x1, s18  }
0xcb: {  	p0 =	sne.s32 s18, s7  }
.Ltmp3:
0xcc: {  	_ = 	snop;
	(pc) =	sbr.rel @p0 .LBB2_1-.Ltmp3, $4  }
0xcd: {  	_ = 	snop  }
0xce: {  	_ =	swait.ge [sflag:s17], $0x8000  }
0xcf: {  	[sflag:s17] =	ssyncset.done $0x0  }
0xd0: {  	[sflag:s17] =	ssyncadd.s32 $0xFFFF8000  }
0xd1: {  	_ =	sfence.sel $0x180000  }
0xd2: {  	[bflag:$0x0] =	sbarrier.arrive $0xFFFF  }
0xd3: {  	p0 =	sne.s32 s1, $0x0;
	_ =	strace $0x90000047  }
0xd4: {  	s0 =	sadd.s32 @!p0 $0x100000, s0;
	[bflag:$0x2] =	sbarrier.arrive $0xFFFF  }
0xd5: {  	[sflag:s0] =	ssyncadd.tile.s32 @!p0 $0x1;
	_ =	shalt  }
.Lfunc_end2:
_tile_overlayer_lowered:
.L_overlay_start_2:
0xd6: {  	(tag) =	ssettag $0x2  }
0xd7: {  	s0 =	rddreg [dreg:$0x0];
	s2 =	stileid.u32  }
0xd8: {  	s1 =	rddreg [dreg:$0x1];
	p0 =	sne.s32 s2, $0x0  }
0xd9: {  	s3 =	rddreg [dreg:$0x2];
	[bflag:$0x3] =	sbarrier.arrive $0xFFFF;
	s2 =	simm.s32 @!p0 $0x1C05  }
0xda: {  	[timem:s3], [sflag:s2] =	dma.local @!p0 [hbm:s0], s1  }
0xdb: {  	s0 =	simm.s32 @!p0 $0x5  }
0xdc: {  	_ =	swait.ge @!p0 [sflag:s0], s1  }
0xdd: {  	s1 =	ssub.s32 @!p0 $0x0, s1;
	[sflag:s0] =	ssyncset.done @!p0 $0x0  }
0xde: {  	[sflag:s0] =	ssyncadd.s32 @!p0 s1  }
0xdf: {  	[bflag:$0x3] =	sbarrier.arrive $0xFFFF  }
0xe0: {  	_ =	shalt  }

// kernel: sparse-core-data-format-call.cloned.1.call-start
scs
called_computation_lowered:
.L_overlay_start_0:
0x0: {  	s2 =	sld [smem:$0x3FD9]  }
0x1: {  	s3 =	sld [smem:$0x3FFE];
	_ =	sdelay $0x1  }
0x2: {  	s1 =	srdreg.scid  }
0x3: {  	s0 =	sand.u32 $0x1, s1  }
0x4: {  	s18 =	sshll.u32 s0, $0xA;
	s2 =	sadd.s32 s3, s2  }
0x5: {  	s2 =	sadd.s32 s2, s18  }
0x6: {  	[smem:$0x3FC6] =	sst s2  }
0x7: {  	_ = 	snop  }
0x8: {  	s2 =	sld [smem:$0x3FD0];
	(tm) =	ssettm $0x1  }
0x9: {  	s19 =	sld [smem:$0x3FFB];
	_ =	sdelay $0x3  }
0xa: {  	_ =	strace s19  }
0xb: {  	s3 =	sld [smem:$0x3FFC];
	_ =	sdelay $0x3  }
0xc: {  	_ =	strace s3  }
0xd: {  	s3 =	sld [smem:$0x3FFD];
	_ =	sdelay $0x3  }
0xe: {  	_ =	strace s3  }
0xf: {  	_ =	strace $0x8FFFFFFF  }
0x10: {  	s20 =	sld [smem:$0x3FDB];
	_ =	sdelay $0x1  }
0x11: {  	s4 =	simm.s32 $_scs_section_size  }
0x12: {  	s5 =	simm.s32 $_size__tile_overlayer_lowered;
	s6 =	simm.s32 $_tile_overlayer_lowered  }
0x13: {  	s23 =	simm.s32 $0x1BFF;
	s22 =	sshll.u32 s6, $0x1;
	s3 =	sadd.s32 s4, s20  }
0x14: {  	s7 =	simm.s32 $0x0;
	s21 =	sshll.u32 s5, $0x1;
	s5 =	sadd.s32 s22, s3  }
0x15: {  	[timem:s7], [sflag:s23] =	dma.local [hbm:s5], s21  }
0x16: {  	_ =	swait.ge [sflag:s23], s21  }
0x17: {  	s4 =	ssub.s32 $0x0, s21;
	[sflag:s23] =	ssyncset.done $0x0  }
0x18: {  	[sflag:s23] =	ssyncadd.s32 s4;
	_ =	sdelay $0x1  }
0x19: {  	s24 =	simm.s32 $0x1B8B  }
0x1a: {  	_ =	swait.ge [sflag:s24], $0x1  }
0x1b: {  	[sflag:s24] =	ssyncset.done $0x0  }
0x1c: {  	s26 =	simm.s32 $0x1B8E;
	s25 =	sld [smem:$0x3FFE];
	[sflag:s24] =	ssyncadd.s32 $0xFFFFFFFF  }
0x1d: {  	s27 =	simm.s32 $execute0_lowered;
	[smem:$0x3FD2] =	sst s26  }
0x1e: {  	s5 =	sshll.u32 s27, $0x1;
	_ =	strace $0x80000049;
	[dreg:$0x1] =	wrdreg $0xFFFFFFFF  }
0x1f: {  	s28 =	simm.s32 $_size_execute0_lowered;
	s3 =	sadd.s32 s3, s5;
	[dreg:$0x0] =	wrdreg $0x0  }
0x20: {  	s5 =	sshll.u32 s28, $0x1;
	[dreg:$0x2] =	wrdreg s3  }
0x21: {  	[dreg:$0x3] =	wrdreg s5  }
0x22: {  	[dreg:$0x4] =	wrdreg $0xC0  }
0x23: {  	_ =	task [dreg:s7], $0x5FFFF  }
0x24: {  	[dreg:$0x1] =	wrdreg $0xFFFFFFFF  }
0x25: {  	[dreg:$0x0] =	wrdreg $0x60  }
0x26: {  	[dreg:$0x2] =	wrdreg s25  }
0x27: {  	[dreg:$0x3] =	wrdreg s2  }
0x28: {  	[dreg:$0x4] =	wrdreg $0x9  }
0x29: {  	_ =	task.clear_ibuf [dreg:s7], $0x5FFFF;
	_ =	strace $0x90000049  }
0x2a: {  	s29 =	simm.s32 $0x9;
	_ =	strace $0x8000004B  }
0x2b: {  	_ =	swait.ge [sflag:s29], $0x1  }
0x2c: {  	[sflag:s29] =	ssyncadd.s32 $0xFFFFFFFF  }
0x2d: {  	_ =	strace $0x9000004B  }
0x2e: {  	_ =	sfence  }
0x2f: {  	s30 =	sld [smem:$0x0];
	_ =	sdelay $0x2  }
0x30: {  	s31 =	sshll.u32 s1, $0xD;
	s1 =	sshrl.u32 s1, $0x2  }
0x31: {  	s3 =	sand.u32 $0x4000, s31;
	s1 =	sadd.s32 s1, s30  }
0x32: {  	s0 =	sor.u32 s3, s0;
	s1 =	sshll.u32 s1, $0x11  }
0x33: {  	s0 =	sor.u32 s1, s0  }
0x34: {  	s0 =	sadd.s32 $0x8F2B, s0  }
0x35: {  	[sflag:s0] =	ssyncadd.remote.s32 $0x1  }
0x36: {  	_ =	sfence.sel $0xFFFF  }
0x37: {  	[dreg:$0x0] =	wrdreg $0xFFFFFFFF;
	(pc) =	sbr.abs _section_cstart, $3  }
0x38: {  	[dreg:$0x1] =	wrdreg $0xFFFFFFFF  }
0x39: {  	_ =	task.clear_ibuf [dreg:s7], $0x2FFFF;
	_ =	strace $0x9FFFFFFF  }
0x3a: {  	(tm) =	ssettm $0x7FFFFFFF  }
0x3b: {  	_ =	shalt  }
tec
execute0_lowered:
.L_overlay_start_1:
0x0: {  	(tag) =	ssettag $0x1  }
0x1: {  	s0 =	srdreg.scid  }
0x2: {  	s1 =	sshll.u32 s0, $0x4  }
0x3: {  	s0 =	stileid.u32;
	s1 =	sand.u32 $0x10, s1  }
0x4: {  	s1 =	sor.u32 s0, s1  }
0x5: {  	s6 =	rddreg [dreg:$0x0];
	s4 =	simm.s32 $0x1;
	s2 =	sshll.u32 s1, $0x7  }
0x6: {  	s7 =	simm.s32 $0x2;
	s12 =	simm.s32 $0x0;
	s1 =	ssub.s32 $0x1000, s2  }
0x7: {  	s8 =	simm.s32 $0x8000;
	s13 =	simm.s32 $0x0;
	s3 =	sand.u32 $0xF80, s1  }
0x8: {  	s9 =	simm.s32 $0x0;
	s5 =	sshrl.u32 s1, $0xC;
	p0 =	sne.s32 s3, $0x0  }
.Ltmp0:
0x9: {  	s1 =	rddreg [dreg:$0x2];
	s4 =	simm.s32 @!p0 $0x0;
	(pc) =	sbr.rel .LBB1_1-.Ltmp0, $4  }
0xa: {  	s11 =	simm.s32 $0x0;
	s3 =	rddreg [dreg:$0x1];
	s5 =	sadd.s32 s4, s5  }
0xb: {  	_ =	strace $0x8000004A;
	s4 =	simm.s32 $0x1;
	s5 =	smul.u32 $0xC8, s5  }
0xc: {  	s6 =	sadd.s32 $0xA00, s6;
	s10 =	smov.u32 s2;
	[sflag:s4] =	ssyncpa.u1 $0x0  }
0xd: {  	p0 =	por $0x0, $0x0;
	[sflag:s7] =	ssyncpa.u1 $0x0;
	s7 =	sor.u32 $0x1, s5  }
.LBB1_4:
0xe: {  	s16 =	sshll.u32 s13, $0x3;
	s17 =	sand.u32 $0x78, s13  }
0xf: {  	s30 =	sand.u32 $0x7E00, s13;
	s12 =	sshll.u32 s12, $0xF;
	s16 =	sand.u32 $0xC00, s16  }
0x10: {  	[tilespmem:s15+$0x810 ss:$0x81] =	vst.msk $0xffff, v2;
	s31 =	sand.u32 $0x7, s13;
	s16 =	sor.u32 s17, s16;
	s17 =	sadd.s32 s3, s30  }
0x11: {  	[tilespmem:s15+$0x1020 ss:$0x81] =	vst.msk $0xffff, v0;
	s13 =	sshll.u32 s31, $0x12;
	s12 =	sadd.s32 s12, s17;
	s16 =	sshrl.u32 s16, $0x3  }
0x12: {  	[tilespmem:s15+$0x0 ss:$0x81] =	vst.msk $0xffff, v1;
	s13 =	sor.u32 $0x400, s13;
	s12 =	sadd.s32 s16, s12  }
0x13: {  	[hbm4b:s12+s13] =	stream.strided.scatter [tilespmem:s14], [sflag:$0x2], $0x2000, s8, s13, $0x20;
	[tilespmem:$0x8080] =	vst v63  }
.LBB1_5:
0x14: {  	s14 =	sadd.s32 $0x1, s9  }
0x15: {  	s12 =	sadd.s32 $0x1000, s10;
	s16 =	smov.u32 s10;
	p2 =	sgt.s32 s14, $0xC7  }
0x16: {  	s16 =	smov.u32 @p2 s12  }
0x17: {  	s14 =	simm.s32 @p2 $0x0;
	p2 =	sgt.s32 s16, $0xFFF  }
0x18: {  	s16 =	smov.u32 @p2 s2;
	p2 =	sne.s32 s11, s7  }
.Ltmp1:
0x19: {  	p1 =	slt.u32 s11, $0x2;
	(pc) =	sbr.rel @!p2 .LBB1_6-.Ltmp1, $4  }
0x1a: {  	s15 =	simm.s32 @!p1 $0x2  }
0x1b: {  	s13 =	smov.u32 s10;
	p0 =	por !p0, !p0;
	_ =	swait.ge @!p1 [sflag:s15], $0x2000  }
0x1c: {  	s12 =	smov.u32 s9;
	[sflag:s15] =	ssyncset.done @!p1 $0x0;
	s9 =	smov.u32 s14  }
0x1d: {  	s11 =	sadd.s32 $0x1, s11;
	[sflag:s15] =	ssyncadd.s32 @!p1 $0xFFFFE000;
	s10 =	smov.u32 s16  }
.LBB1_1:
0x1e: {  	p1 =	sge.u32 s11, s5  }
0x1f: {  	s14 =	sand.u32 @!p1 $0x1FFFFFF, s9  }
0x20: {  	s15 =	smulhi.u32 @!p1 $0x147AE15, s14;
	_ =	sdelay $0x1  }
0x21: {  	s15 =	smul.u32 @!p1 $0xC8, s15  }
0x22: {  	s16 =	sxor.u32 @!p1 $0xFFFFFFFF, s11;
	s17 =	smul.u32 @!p1 $0xC80, s10  }
0x23: {  	s31 =	sadd.s32 $0xFFFFFFFF, s11;
	s16 =	sshll.u32 @!p1 s16, $0xD;
	s14 =	ssub.s32 @!p1 s14, s15  }
0x24: {  	s15 =	sand.u32 @!p1 $0x2000, s16;
	s16 =	sadd.s32 @!p1 s6, s17;
	s14 =	sshll.u32 @!p1 s14, $0x4  }
0x25: {  	s17 =	simm.s32 @!p1 $0x6400;
	s14 =	sadd.s32 @!p1 s14, s16;
	s16 =	simm.s32 @!p1 $0x40  }
0x26: {  	[tilespmem:s15], [sflag:$0x1] =	stream.strided.gather @!p1 [hbm4b:s14+s16], $0x2000, s17, s16, $0x38;
	[tilespmem:$0x8080] =	vst v63  }
0x27: {  	p1 =	sge.u32 s31, s5  }
.Ltmp2:
0x28: {  	_ = 	snop;
	(pc) =	sbr.rel @p1 .LBB1_5-.Ltmp2, $1  }
0x29: {  	_ =	sdelay $0x3  }
0x2a: {  	s14 =	simm.s32 $0x1  }
0x2b: {  	_ =	swait.ge [sflag:s4], $0x2000;
	s14 =	simm.s32 @!p0 $0x0  }
0x2c: {  	[sflag:s4] =	ssyncset.done $0x0;
	s15 =	sshll.u32 s14, $0xD  }
0x2d: {  	[sflag:s4] =	ssyncadd.s32 $0xFFFFE000;
	s18 =	sor.u32 $0x20, s15  }
0x2e: {  	s14 =	smul.u32 $0x8100, s14;
	v3 =	vld [tilespmem:s18+$0x10]  }
0x2f: {  	s30 =	sand.u32 $0x1, s11;
	v2 =	vld [tilespmem:s18+$0xFFFFFFF0]  }
0x30: {  	s15 =	smul.u32 $0x8100, s30;
	s14 =	sshrl.u32 s14, $0x2;
	v0 =	vld [tilespmem:s18+$0x0]  }
0x31: {  	v1 =	vld [tilespmem:s18+$0xFFFFFFE0];
	s16 =	sor.u32 $0x4000, s14  }
0x32: {  	s31 =	sshrl.u32 s15, $0x2;
	s15 =	sadd.s32 $0x0, s16  }
0x33: {  	s17 =	simm.s32 $0x4;
	s18 =	sadd.s32 $0x40, s18;
	s14 =	sor.u32 $0x4000, s31;
	[tilespmem:s15+$0x1830 ss:$0x81] =	vst.msk $0xffff, v3  }
.LBB1_3:
0x34: {  	v3 =	vld [tilespmem:s18+$0x10];
	p1 =	sne.s32 s17, $0x1FC;
	[tilespmem:s15+$0x810 ss:$0x81] =	vst.msk $0xffff, v2;
	s19 =	smov.u32 s17;
	s17 =	sadd.s32 $0x4, s17  }
.Ltmp3:
0x35: {  	v2 =	vld [tilespmem:s18+$0xFFFFFFF0];
	[tilespmem:s15+$0x1020 ss:$0x81] =	vst.msk $0xffff, v0;
	(pc) =	sbr.rel @p1 .LBB1_3-.Ltmp3, $4  }
0x36: {  	v0 =	vld [tilespmem:s18+$0x0];
	[tilespmem:s15+$0x0 ss:$0x81] =	vst.msk $0xffff, v1  }
0x37: {  	s15 =	sshra.s32 s19, $0x2;
	v1 =	vld [tilespmem:s18+$0xFFFFFFE0]  }
0x38: {  	s15 =	sadd.s32 s15, s16  }
0x39: {  	s18 =	sadd.s32 $0x40, s18;
	[tilespmem:s15+$0x1830 ss:$0x81] =	vst.msk $0xffff, v3  }
.Ltmp4:
0x3a: {  	_ = 	snop;
	(pc) =	sbr.rel .LBB1_4-.Ltmp4, $1  }
0x3b: {  	_ =	sdelay $0x3  }
.LBB1_6:
0x3c: {  	_ =	sfence.sel $0x180000  }
0x3d: {  	s2 =	simm.s32 $0x1;
	[bflag:$0x0] =	sbarrier.arrive $0xFFFF  }
0x3e: {  	s31 =	simm.s32 $0x2;
	[sflag:s2] =	ssyncpa.u1 $0x1  }
0x3f: {  	[sflag:s31] =	ssyncpa.u1 $0x1  }
0x40: {  	p0 =	sne.s32 s0, $0x0;
	_ =	strace $0x9000004A  }
0x41: {  	s0 =	sadd.s32 @!p0 $0x100000, s1;
	[bflag:$0x2] =	sbarrier.arrive $0xFFFF  }
0x42: {  	[sflag:s0] =	ssyncadd.tile.s32 @!p0 $0x1;
	_ =	shalt  }
.Lfunc_end1:
_tile_overlayer_lowered:
.L_overlay_start_2:
0x43: {  	(tag) =	ssettag $0x2  }
0x44: {  	s0 =	rddreg [dreg:$0x0];
	s2 =	stileid.u32  }
0x45: {  	s1 =	rddreg [dreg:$0x1];
	p0 =	sne.s32 s2, $0x0  }
0x46: {  	s3 =	rddreg [dreg:$0x2];
	[bflag:$0x3] =	sbarrier.arrive $0xFFFF;
	s2 =	simm.s32 @!p0 $0x1C01  }
0x47: {  	[timem:s3], [sflag:s2] =	dma.local @!p0 [hbm:s0], s1  }
0x48: {  	s0 =	simm.s32 @!p0 $0x1  }
0x49: {  	_ =	swait.ge @!p0 [sflag:s0], s1  }
0x4a: {  	s1 =	ssub.s32 @!p0 $0x0, s1;
	[sflag:s0] =	ssyncset.done @!p0 $0x0  }
0x4b: {  	[sflag:s0] =	ssyncadd.s32 @!p0 s1  }
0x4c: {  	[bflag:$0x3] =	sbarrier.arrive $0xFFFF  }
0x4d: {  	_ =	shalt  }

</sc_bundles>
